<compile_context>
chip_gen: v7x
topology: tpu7x:2x2x1
jax: 0.10.2.dev20260603
libtpu: 0.0.44.dev20260713+nightly
codegen_flags: <defaults>
</compile_context>

<pallas_src>
import functools

import jax
import jax.numpy as jnp
from jax import lax
from jax.experimental import pallas as pl
from jax.experimental.pallas import tpu as pltpu
from jax.experimental.pallas import tpu_sc as plsc

GRAPH_NUM = 1000000
EMB_DIM = 64
OUT_DIM = 64
BATCH = 16384

NUM_CORES = 2
NUM_SUBCORES = 16
NW = NUM_CORES * NUM_SUBCORES
B_PER_W = BATCH // NW
GRP = 16
N_GRP = B_PER_W // GRP
NBUF = 7


def _make_sc_gather():
    mesh = plsc.VectorSubcoreMesh(core_axis_name="c", subcore_axis_name="s")

    @functools.partial(
        pl.kernel,
        mesh=mesh,
        compiler_params=pltpu.CompilerParams(
            use_tc_tiling_on_sc=True, needs_layout_passes=False),
        out_type=jax.ShapeDtypeStruct((BATCH, EMB_DIM), jnp.float32),
        scratch_types=[
            pltpu.VMEM((B_PER_W,), jnp.int32),
            pltpu.VMEM((B_PER_W, EMB_DIM), jnp.float32),
        ]
        + [pltpu.VMEM((EMB_DIM, 128), jnp.float32) for _ in range(NBUF)]
        + [pltpu.SemaphoreType.DMA for _ in range(NBUF)],
    )
    def gather(tT_hbm, idx_hbm, out_hbm, idx_v, out_v, *bufsems):
        bufs = bufsems[:NBUF]
        sems = bufsems[NBUF:]
        wid = lax.axis_index("s") * NUM_CORES + lax.axis_index("c")
        base = wid * B_PER_W
        pltpu.sync_copy(idx_hbm.at[pl.ds(base, B_PER_W)], idx_v)
        lanes = lax.iota(jnp.int32, GRP)

        @pl.loop(0, N_GRP)
        def _grp(grp):
            vec = idx_v[pl.ds(grp * GRP, GRP)]
            gs = [
                lax.reduce_sum(
                    jnp.where(lanes == j, vec, 0), axes=(0,))
                for j in range(GRP)
            ]

            def fire(i):
                off = pl.multiple_of((gs[i] >> 7) << 7, 128)
                return pltpu.async_copy(
                    tT_hbm.at[:, pl.ds(off, 128)], bufs[i % NBUF],
                    sems[i % NBUF])

            copies = [None] * GRP
            for i in range(NBUF):
                copies[i] = fire(i)
            for i in range(GRP):
                copies[i].wait()
                buf = bufs[i % NBUF]
                col = jnp.full((GRP,), gs[i] & 127, jnp.int32)
                row = grp * GRP + i
                for e in range(EMB_DIM // GRP):
                    vals = plsc.load_gather(buf, [e * GRP + lanes, col])
                    out_v[row, pl.ds(e * GRP, GRP)] = vals
                if i + NBUF < GRP:
                    copies[i + NBUF] = fire(i + NBUF)

        pltpu.sync_copy(out_v, out_hbm.at[pl.ds(base, B_PER_W)])

    return gather


_sc_gather = _make_sc_gather()


def _proj_body(emb_ref, w_ref, outT_ref):
    e = emb_ref[...]
    yT = lax.dot_general(
        w_ref[...], e,
        dimension_numbers=(((1,), (1,)), ((), ())),
        preferred_element_type=jnp.float32,
    )
    norm = jnp.sqrt(jnp.sum(yT * yT, axis=0, keepdims=True))
    outT_ref[...] = yT / jnp.maximum(norm, 1e-12)


_PROJ_BLOCK = 2048


def _tc_project(emb, W):
    grid = (BATCH // _PROJ_BLOCK,)
    return pl.pallas_call(
        _proj_body,
        grid=grid,
        in_specs=[
            pl.BlockSpec((_PROJ_BLOCK, EMB_DIM), lambda i: (i, 0)),
            pl.BlockSpec((OUT_DIM, EMB_DIM), lambda i: (0, 0)),
        ],
        out_specs=pl.BlockSpec((OUT_DIM, _PROJ_BLOCK), lambda i: (0, i)),
        out_shape=jax.ShapeDtypeStruct((OUT_DIM, BATCH), jnp.float32),
    )(emb, W)


def kernel(graph_id_list, table, W):
    idx = graph_id_list.astype(jnp.int32)
    tableT = table.T
    emb = _sc_gather(tableT, idx)
    outT = _tc_project(emb, W)
    return outT.T

# --- scband reference (transcript-rebuilt; emitter-appended) ---
"""Pipeline reference for scband-graph-embedding-69913477644880 (READ-ONLY COPY).

The authoritative reference and input builder live on the scoring server;
editing this copy changes nothing except your own understanding.
"""

import jax, jax.numpy as jnp
import numpy as np

GRAPH_NUM = 1000000
EMB_DIM = 64
OUT_DIM = 64
BATCH = 16384

def setup_inputs(seed: int = 0) -> dict:
    key = jax.random.key(seed)
    k1, k2, k3 = jax.random.split(key, 3)
    graph_id_list = jax.random.randint(k1, (BATCH,), 0, GRAPH_NUM, dtype=jnp.int64) if jax.config.jax_enable_x64 else jax.random.randint(k1, (BATCH,), 0, GRAPH_NUM, dtype=jnp.int32)
    # xavier_uniform for embedding table [GRAPH_NUM, EMB_DIM]
    bound_emb = float(np.sqrt(6.0 / (GRAPH_NUM + EMB_DIM)))
    table = jax.random.uniform(k2, (GRAPH_NUM, EMB_DIM), dtype=jnp.float32, minval=-bound_emb, maxval=bound_emb)
    # torch Linear default init: uniform(-1/sqrt(in), 1/sqrt(in)); W shape [out, in]
    bound_w = float(1.0 / np.sqrt(EMB_DIM))
    W = jax.random.uniform(k3, (OUT_DIM, EMB_DIM), dtype=jnp.float32, minval=-bound_w, maxval=bound_w)
    return {"graph_id_list": graph_id_list, "table": table, "W": W}

def reference(graph_id_list, table, W):
    # Embedding lookup (gather)
    emb = jnp.take(table, graph_id_list, axis=0)
    # Linear (no bias): y = emb @ W^T
    out = emb @ W.T
    # F.normalize(p=2, dim=-1) with eps=1e-12
    norm = jnp.linalg.norm(out, ord=2, axis=-1, keepdims=True)
    out = out / jnp.maximum(norm, 1e-12)
    return out

if __name__ == "__main__":
    import jax
    _d = setup_inputs()
    print(jax.jit(kernel)(*tuple(_d.values())))

</pallas_src>

<mosaic_0001>
#map = affine_map<(d0, d1) -> (0, 0)>
#map1 = affine_map<(d0, d1) -> (0)>
module attributes {stable_mosaic.version = 14 : i64} {
  func.func @gather(%arg0: i32, %arg1: i32, %arg2: memref<64x1000000xf32, #tpu.memory_space<hbm>>, %arg3: memref<16384xi32, #tpu.memory_space<hbm>>, %arg4: memref<16384x64xf32, #tpu.memory_space<hbm>>, %arg5: memref<512xi32, #tpu.memory_space<vmem>>, %arg6: memref<512x64xf32, #tpu.memory_space<vmem>>, %arg7: memref<64x128xf32, #tpu.memory_space<vmem>>, %arg8: memref<64x128xf32, #tpu.memory_space<vmem>>, %arg9: memref<64x128xf32, #tpu.memory_space<vmem>>, %arg10: memref<64x128xf32, #tpu.memory_space<vmem>>, %arg11: memref<64x128xf32, #tpu.memory_space<vmem>>, %arg12: memref<64x128xf32, #tpu.memory_space<vmem>>, %arg13: memref<64x128xf32, #tpu.memory_space<vmem>>, %arg14: memref<!tpu.dma_semaphore, #tpu.memory_space<semaphore_mem>>, %arg15: memref<!tpu.dma_semaphore, #tpu.memory_space<semaphore_mem>>, %arg16: memref<!tpu.dma_semaphore, #tpu.memory_space<semaphore_mem>>, %arg17: memref<!tpu.dma_semaphore, #tpu.memory_space<semaphore_mem>>, %arg18: memref<!tpu.dma_semaphore, #tpu.memory_space<semaphore_mem>>, %arg19: memref<!tpu.dma_semaphore, #tpu.memory_space<semaphore_mem>>, %arg20: memref<!tpu.dma_semaphore, #tpu.memory_space<semaphore_mem>>) attributes {dimension_semantics = [#tpu.dimension_semantics<core_parallel>, #tpu.dimension_semantics<subcore_parallel>], iteration_bounds = array<i64: 2, 16>, scalar_prefetch = 0 : i64, scratch_operands = 16 : i64, tpu.core_type = #tpu.core_type<sc_vector_subcore>, window_params = [{transform_indices = #map}, {transform_indices = #map1}, {transform_indices = #map}]} {
    %mul3A = arith.constant 2 : i32
    %mul3A_0 = arith.muli %arg1, %mul3A : i32
    %add3A = arith.addi %mul3A_0, %arg0 : i32
    %mul3A_1 = arith.constant 512 : i32
    %mul3A_2 = arith.muli %add3A, %mul3A_1 : i32
    "tpu.region"() ({
      %run_scoped3A = tpu.sem_alloc : memref<!tpu.dma_semaphore, #tpu.memory_space<semaphore_mem>>
      %dma_start3A = tpu.memref_slice %arg3[%mul3A_2] : memref<16384xi32, #tpu.memory_space<hbm>> -> memref<512xi32, #tpu.memory_space<hbm>>
      %dma_start3A_7 = tpu.memref_slice %arg3[%mul3A_2] : memref<16384xi32, #tpu.memory_space<hbm>> -> memref<512xi32, #tpu.memory_space<hbm>>
      tpu.enqueue_dma source(%dma_start3A_7 : memref<512xi32, #tpu.memory_space<hbm>>) target(%arg5 : memref<512xi32, #tpu.memory_space<vmem>>) target_semaphore(%run_scoped3A : memref<!tpu.dma_semaphore, #tpu.memory_space<semaphore_mem>>)
      %dma_wait3A = tpu.memref_slice %arg3[%mul3A_2] : memref<16384xi32, #tpu.memory_space<hbm>> -> memref<512xi32, #tpu.memory_space<hbm>>
      %dma_wait3A_8 = tpu.memref_slice %arg3[%mul3A_2] : memref<16384xi32, #tpu.memory_space<hbm>> -> memref<512xi32, #tpu.memory_space<hbm>>
      tpu.wait_dma2 semaphore(%run_scoped3A : memref<!tpu.dma_semaphore, #tpu.memory_space<semaphore_mem>>) src(%dma_wait3A_8 : memref<512xi32, #tpu.memory_space<hbm>>) dst(%arg5 : memref<512xi32, #tpu.memory_space<vmem>>)
      tpu.yield
    }) : () -> ()
    %iota3A = tpu.iota {dimensions = array<i32: 0>} : vector<16xi32>
    %scan3A = arith.constant 0 : i32
    %scan3A_3 = arith.constant 32 : i32
    %scan3A_4 = arith.addi %scan3A, %scan3A_3 : i32
    %scan3A_5 = arith.constant 1 : i32
    scf.for %scan3A_7 = %scan3A to %scan3A_4 step %scan3A_5  : i32 {
      %mul3A_8 = arith.constant 1 : i32
      %mul3A_9 = arith.muli %scan3A_7, %mul3A_8 : i32
      %add3A_10 = arith.constant 0 : i32
      %add3A_11 = arith.addi %add3A_10, %mul3A_9 : i32
      %mul3A_12 = arith.constant 16 : i32
      %mul3A_13 = arith.muli %add3A_11, %mul3A_12 : i32
      %get3A = arith.index_cast %mul3A_13 : i32 to index
      %get3A_14 = tpu.vector_load %arg5[%get3A] {strides = array<i32>} : memref<512xi32, #tpu.memory_space<vmem>>, vector<16xi32>,
      %eq3A = arith.constant 0 : i32
      %eq3A_15 = vector.broadcast %eq3A : i32 to vector<16xi32>
      %eq3A_16 = arith.cmpi eq, %iota3A, %eq3A_15 : vector<16xi32>
      %jit3A = arith.constant 0 : i32
      %broadcast_in_dim3A = vector.broadcast %jit3A : i32 to vector<16xi32>
      %select_n3A = arith.select %eq3A_16, %get3A_14, %broadcast_in_dim3A : vector<16xi1>, vector<16xi32>
      %reduce_sum3A = arith.constant true
      %reduce_sum3A_17 = vector.broadcast %reduce_sum3A : i1 to vector<16xi1>
      %reduce_sum3A_18 = tpu.scan <sum>, %select_n3A masked %reduce_sum3A_17 : vector<16xi32>, vector<16xi1> -> vector<16xi32>
      %reduce_sum3A_19 = vector.extract %reduce_sum3A_18[15] : i32 from vector<16xi32>
      %eq3A_20 = arith.constant 1 : i32
      %eq3A_21 = vector.broadcast %eq3A_20 : i32 to vector<16xi32>
      %eq3A_22 = arith.cmpi eq, %iota3A, %eq3A_21 : vector<16xi32>
      %jit3A_23 = arith.constant 0 : i32
      %broadcast_in_dim3A_24 = vector.broadcast %jit3A_23 : i32 to vector<16xi32>
      %select_n3A_25 = arith.select %eq3A_22, %get3A_14, %broadcast_in_dim3A_24 : vector<16xi1>, vector<16xi32>
      %reduce_sum3A_26 = arith.constant true
      %reduce_sum3A_27 = vector.broadcast %reduce_sum3A_26 : i1 to vector<16xi1>
      %reduce_sum3A_28 = tpu.scan <sum>, %select_n3A_25 masked %reduce_sum3A_27 : vector<16xi32>, vector<16xi1> -> vector<16xi32>
      %reduce_sum3A_29 = vector.extract %reduce_sum3A_28[15] : i32 from vector<16xi32>
      %eq3A_30 = arith.constant 2 : i32
      %eq3A_31 = vector.broadcast %eq3A_30 : i32 to vector<16xi32>
      %eq3A_32 = arith.cmpi eq, %iota3A, %eq3A_31 : vector<16xi32>
      %jit3A_33 = arith.constant 0 : i32
      %broadcast_in_dim3A_34 = vector.broadcast %jit3A_33 : i32 to vector<16xi32>
      %select_n3A_35 = arith.select %eq3A_32, %get3A_14, %broadcast_in_dim3A_34 : vector<16xi1>, vector<16xi32>
      %reduce_sum3A_36 = arith.constant true
      %reduce_sum3A_37 = vector.broadcast %reduce_sum3A_36 : i1 to vector<16xi1>
      %reduce_sum3A_38 = tpu.scan <sum>, %select_n3A_35 masked %reduce_sum3A_37 : vector<16xi32>, vector<16xi1> -> vector<16xi32>
      %reduce_sum3A_39 = vector.extract %reduce_sum3A_38[15] : i32 from vector<16xi32>
      %eq3A_40 = arith.constant 3 : i32
      %eq3A_41 = vector.broadcast %eq3A_40 : i32 to vector<16xi32>
      %eq3A_42 = arith.cmpi eq, %iota3A, %eq3A_41 : vector<16xi32>
      %jit3A_43 = arith.constant 0 : i32
      %broadcast_in_dim3A_44 = vector.broadcast %jit3A_43 : i32 to vector<16xi32>
      %select_n3A_45 = arith.select %eq3A_42, %get3A_14, %broadcast_in_dim3A_44 : vector<16xi1>, vector<16xi32>
      %reduce_sum3A_46 = arith.constant true
      %reduce_sum3A_47 = vector.broadcast %reduce_sum3A_46 : i1 to vector<16xi1>
      %reduce_sum3A_48 = tpu.scan <sum>, %select_n3A_45 masked %reduce_sum3A_47 : vector<16xi32>, vector<16xi1> -> vector<16xi32>
      %reduce_sum3A_49 = vector.extract %reduce_sum3A_48[15] : i32 from vector<16xi32>
      %eq3A_50 = arith.constant 4 : i32
      %eq3A_51 = vector.broadcast %eq3A_50 : i32 to vector<16xi32>
      %eq3A_52 = arith.cmpi eq, %iota3A, %eq3A_51 : vector<16xi32>
      %jit3A_53 = arith.constant 0 : i32
      %broadcast_in_dim3A_54 = vector.broadcast %jit3A_53 : i32 to vector<16xi32>
      %select_n3A_55 = arith.select %eq3A_52, %get3A_14, %broadcast_in_dim3A_54 : vector<16xi1>, vector<16xi32>
      %reduce_sum3A_56 = arith.constant true
      %reduce_sum3A_57 = vector.broadcast %reduce_sum3A_56 : i1 to vector<16xi1>
      %reduce_sum3A_58 = tpu.scan <sum>, %select_n3A_55 masked %reduce_sum3A_57 : vector<16xi32>, vector<16xi1> -> vector<16xi32>
      %reduce_sum3A_59 = vector.extract %reduce_sum3A_58[15] : i32 from vector<16xi32>
      %eq3A_60 = arith.constant 5 : i32
      %eq3A_61 = vector.broadcast %eq3A_60 : i32 to vector<16xi32>
      %eq3A_62 = arith.cmpi eq, %iota3A, %eq3A_61 : vector<16xi32>
      %jit3A_63 = arith.constant 0 : i32
      %broadcast_in_dim3A_64 = vector.broadcast %jit3A_63 : i32 to vector<16xi32>
      %select_n3A_65 = arith.select %eq3A_62, %get3A_14, %broadcast_in_dim3A_64 : vector<16xi1>, vector<16xi32>
      %reduce_sum3A_66 = arith.constant true
      %reduce_sum3A_67 = vector.broadcast %reduce_sum3A_66 : i1 to vector<16xi1>
      %reduce_sum3A_68 = tpu.scan <sum>, %select_n3A_65 masked %reduce_sum3A_67 : vector<16xi32>, vector<16xi1> -> vector<16xi32>
      %reduce_sum3A_69 = vector.extract %reduce_sum3A_68[15] : i32 from vector<16xi32>
      %eq3A_70 = arith.constant 6 : i32
      %eq3A_71 = vector.broadcast %eq3A_70 : i32 to vector<16xi32>
      %eq3A_72 = arith.cmpi eq, %iota3A, %eq3A_71 : vector<16xi32>
      %jit3A_73 = arith.constant 0 : i32
      %broadcast_in_dim3A_74 = vector.broadcast %jit3A_73 : i32 to vector<16xi32>
      %select_n3A_75 = arith.select %eq3A_72, %get3A_14, %broadcast_in_dim3A_74 : vector<16xi1>, vector<16xi32>
      %reduce_sum3A_76 = arith.constant true
      %reduce_sum3A_77 = vector.broadcast %reduce_sum3A_76 : i1 to vector<16xi1>
      %reduce_sum3A_78 = tpu.scan <sum>, %select_n3A_75 masked %reduce_sum3A_77 : vector<16xi32>, vector<16xi1> -> vector<16xi32>
      %reduce_sum3A_79 = vector.extract %reduce_sum3A_78[15] : i32 from vector<16xi32>
      %eq3A_80 = arith.constant 7 : i32
      %eq3A_81 = vector.broadcast %eq3A_80 : i32 to vector<16xi32>
      %eq3A_82 = arith.cmpi eq, %iota3A, %eq3A_81 : vector<16xi32>
      %jit3A_83 = arith.constant 0 : i32
      %broadcast_in_dim3A_84 = vector.broadcast %jit3A_83 : i32 to vector<16xi32>
      %select_n3A_85 = arith.select %eq3A_82, %get3A_14, %broadcast_in_dim3A_84 : vector<16xi1>, vector<16xi32>
      %reduce_sum3A_86 = arith.constant true
      %reduce_sum3A_87 = vector.broadcast %reduce_sum3A_86 : i1 to vector<16xi1>
      %reduce_sum3A_88 = tpu.scan <sum>, %select_n3A_85 masked %reduce_sum3A_87 : vector<16xi32>, vector<16xi1> -> vector<16xi32>
      %reduce_sum3A_89 = vector.extract %reduce_sum3A_88[15] : i32 from vector<16xi32>
      %eq3A_90 = arith.constant 8 : i32
      %eq3A_91 = vector.broadcast %eq3A_90 : i32 to vector<16xi32>
      %eq3A_92 = arith.cmpi eq, %iota3A, %eq3A_91 : vector<16xi32>
      %jit3A_93 = arith.constant 0 : i32
      %broadcast_in_dim3A_94 = vector.broadcast %jit3A_93 : i32 to vector<16xi32>
      %select_n3A_95 = arith.select %eq3A_92, %get3A_14, %broadcast_in_dim3A_94 : vector<16xi1>, vector<16xi32>
      %reduce_sum3A_96 = arith.constant true
      %reduce_sum3A_97 = vector.broadcast %reduce_sum3A_96 : i1 to vector<16xi1>
      %reduce_sum3A_98 = tpu.scan <sum>, %select_n3A_95 masked %reduce_sum3A_97 : vector<16xi32>, vector<16xi1> -> vector<16xi32>
      %reduce_sum3A_99 = vector.extract %reduce_sum3A_98[15] : i32 from vector<16xi32>
      %eq3A_100 = arith.constant 9 : i32
      %eq3A_101 = vector.broadcast %eq3A_100 : i32 to vector<16xi32>
      %eq3A_102 = arith.cmpi eq, %iota3A, %eq3A_101 : vector<16xi32>
      %jit3A_103 = arith.constant 0 : i32
      %broadcast_in_dim3A_104 = vector.broadcast %jit3A_103 : i32 to vector<16xi32>
      %select_n3A_105 = arith.select %eq3A_102, %get3A_14, %broadcast_in_dim3A_104 : vector<16xi1>, vector<16xi32>
      %reduce_sum3A_106 = arith.constant true
      %reduce_sum3A_107 = vector.broadcast %reduce_sum3A_106 : i1 to vector<16xi1>
      %reduce_sum3A_108 = tpu.scan <sum>, %select_n3A_105 masked %reduce_sum3A_107 : vector<16xi32>, vector<16xi1> -> vector<16xi32>
      %reduce_sum3A_109 = vector.extract %reduce_sum3A_108[15] : i32 from vector<16xi32>
      %eq3A_110 = arith.constant 10 : i32
      %eq3A_111 = vector.broadcast %eq3A_110 : i32 to vector<16xi32>
      %eq3A_112 = arith.cmpi eq, %iota3A, %eq3A_111 : vector<16xi32>
      %jit3A_113 = arith.constant 0 : i32
      %broadcast_in_dim3A_114 = vector.broadcast %jit3A_113 : i32 to vector<16xi32>
      %select_n3A_115 = arith.select %eq3A_112, %get3A_14, %broadcast_in_dim3A_114 : vector<16xi1>, vector<16xi32>
      %reduce_sum3A_116 = arith.constant true
      %reduce_sum3A_117 = vector.broadcast %reduce_sum3A_116 : i1 to vector<16xi1>
      %reduce_sum3A_118 = tpu.scan <sum>, %select_n3A_115 masked %reduce_sum3A_117 : vector<16xi32>, vector<16xi1> -> vector<16xi32>
      %reduce_sum3A_119 = vector.extract %reduce_sum3A_118[15] : i32 from vector<16xi32>
      %eq3A_120 = arith.constant 11 : i32
      %eq3A_121 = vector.broadcast %eq3A_120 : i32 to vector<16xi32>
      %eq3A_122 = arith.cmpi eq, %iota3A, %eq3A_121 : vector<16xi32>
      %jit3A_123 = arith.constant 0 : i32
      %broadcast_in_dim3A_124 = vector.broadcast %jit3A_123 : i32 to vector<16xi32>
      %select_n3A_125 = arith.select %eq3A_122, %get3A_14, %broadcast_in_dim3A_124 : vector<16xi1>, vector<16xi32>
      %reduce_sum3A_126 = arith.constant true
      %reduce_sum3A_127 = vector.broadcast %reduce_sum3A_126 : i1 to vector<16xi1>
      %reduce_sum3A_128 = tpu.scan <sum>, %select_n3A_125 masked %reduce_sum3A_127 : vector<16xi32>, vector<16xi1> -> vector<16xi32>
      %reduce_sum3A_129 = vector.extract %reduce_sum3A_128[15] : i32 from vector<16xi32>
      %eq3A_130 = arith.constant 12 : i32
      %eq3A_131 = vector.broadcast %eq3A_130 : i32 to vector<16xi32>
      %eq3A_132 = arith.cmpi eq, %iota3A, %eq3A_131 : vector<16xi32>
      %jit3A_133 = arith.constant 0 : i32
      %broadcast_in_dim3A_134 = vector.broadcast %jit3A_133 : i32 to vector<16xi32>
      %select_n3A_135 = arith.select %eq3A_132, %get3A_14, %broadcast_in_dim3A_134 : vector<16xi1>, vector<16xi32>
      %reduce_sum3A_136 = arith.constant true
      %reduce_sum3A_137 = vector.broadcast %reduce_sum3A_136 : i1 to vector<16xi1>
      %reduce_sum3A_138 = tpu.scan <sum>, %select_n3A_135 masked %reduce_sum3A_137 : vector<16xi32>, vector<16xi1> -> vector<16xi32>
      %reduce_sum3A_139 = vector.extract %reduce_sum3A_138[15] : i32 from vector<16xi32>
      %eq3A_140 = arith.constant 13 : i32
      %eq3A_141 = vector.broadcast %eq3A_140 : i32 to vector<16xi32>
      %eq3A_142 = arith.cmpi eq, %iota3A, %eq3A_141 : vector<16xi32>
      %jit3A_143 = arith.constant 0 : i32
      %broadcast_in_dim3A_144 = vector.broadcast %jit3A_143 : i32 to vector<16xi32>
      %select_n3A_145 = arith.select %eq3A_142, %get3A_14, %broadcast_in_dim3A_144 : vector<16xi1>, vector<16xi32>
      %reduce_sum3A_146 = arith.constant true
      %reduce_sum3A_147 = vector.broadcast %reduce_sum3A_146 : i1 to vector<16xi1>
      %reduce_sum3A_148 = tpu.scan <sum>, %select_n3A_145 masked %reduce_sum3A_147 : vector<16xi32>, vector<16xi1> -> vector<16xi32>
      %reduce_sum3A_149 = vector.extract %reduce_sum3A_148[15] : i32 from vector<16xi32>
      %eq3A_150 = arith.constant 14 : i32
      %eq3A_151 = vector.broadcast %eq3A_150 : i32 to vector<16xi32>
      %eq3A_152 = arith.cmpi eq, %iota3A, %eq3A_151 : vector<16xi32>
      %jit3A_153 = arith.constant 0 : i32
      %broadcast_in_dim3A_154 = vector.broadcast %jit3A_153 : i32 to vector<16xi32>
      %select_n3A_155 = arith.select %eq3A_152, %get3A_14, %broadcast_in_dim3A_154 : vector<16xi1>, vector<16xi32>
      %reduce_sum3A_156 = arith.constant true
      %reduce_sum3A_157 = vector.broadcast %reduce_sum3A_156 : i1 to vector<16xi1>
      %reduce_sum3A_158 = tpu.scan <sum>, %select_n3A_155 masked %reduce_sum3A_157 : vector<16xi32>, vector<16xi1> -> vector<16xi32>
      %reduce_sum3A_159 = vector.extract %reduce_sum3A_158[15] : i32 from vector<16xi32>
      %eq3A_160 = arith.constant 15 : i32
      %eq3A_161 = vector.broadcast %eq3A_160 : i32 to vector<16xi32>
      %eq3A_162 = arith.cmpi eq, %iota3A, %eq3A_161 : vector<16xi32>
      %jit3A_163 = arith.constant 0 : i32
      %broadcast_in_dim3A_164 = vector.broadcast %jit3A_163 : i32 to vector<16xi32>
      %select_n3A_165 = arith.select %eq3A_162, %get3A_14, %broadcast_in_dim3A_164 : vector<16xi1>, vector<16xi32>
      %reduce_sum3A_166 = arith.constant true
      %reduce_sum3A_167 = vector.broadcast %reduce_sum3A_166 : i1 to vector<16xi1>
      %reduce_sum3A_168 = tpu.scan <sum>, %select_n3A_165 masked %reduce_sum3A_167 : vector<16xi32>, vector<16xi1> -> vector<16xi32>
      %reduce_sum3A_169 = vector.extract %reduce_sum3A_168[15] : i32 from vector<16xi32>
      %shift_right_arithmetic3A = arith.constant 7 : i32
      %shift_right_arithmetic3A_170 = arith.shrsi %reduce_sum3A_19, %shift_right_arithmetic3A : i32
      %shift_left3A = arith.constant 7 : i32
      %shift_left3A_171 = arith.shli %shift_right_arithmetic3A_170, %shift_left3A : i32
      %multiple_of3A = tpu.assume_multiple %shift_left3A_171, 128 : i32
      %dma_start3A = arith.constant 0 : i32
      %dma_start3A_172 = tpu.memref_slice %arg2[%dma_start3A, %multiple_of3A] : memref<64x1000000xf32, #tpu.memory_space<hbm>> -> memref<64x128xf32, #tpu.memory_space<hbm>>
      %dma_start3A_173 = arith.constant 0 : i32
      %dma_start3A_174 = tpu.memref_slice %arg2[%dma_start3A_173, %multiple_of3A] : memref<64x1000000xf32, #tpu.memory_space<hbm>> -> memref<64x128xf32, #tpu.memory_space<hbm>>
      tpu.enqueue_dma source(%dma_start3A_174 : memref<64x128xf32, #tpu.memory_space<hbm>>) target(%arg7 : memref<64x128xf32, #tpu.memory_space<vmem>>) target_semaphore(%arg14 : memref<!tpu.dma_semaphore, #tpu.memory_space<semaphore_mem>>)
      %shift_right_arithmetic3A_175 = arith.constant 7 : i32
      %shift_right_arithmetic3A_176 = arith.shrsi %reduce_sum3A_29, %shift_right_arithmetic3A_175 : i32
      %shift_left3A_177 = arith.constant 7 : i32
      %shift_left3A_178 = arith.shli %shift_right_arithmetic3A_176, %shift_left3A_177 : i32
      %multiple_of3A_179 = tpu.assume_multiple %shift_left3A_178, 128 : i32
      %dma_start3A_180 = arith.constant 0 : i32
      %dma_start3A_181 = tpu.memref_slice %arg2[%dma_start3A_180, %multiple_of3A_179] : memref<64x1000000xf32, #tpu.memory_space<hbm>> -> memref<64x128xf32, #tpu.memory_space<hbm>>
      %dma_start3A_182 = arith.constant 0 : i32
      %dma_start3A_183 = tpu.memref_slice %arg2[%dma_start3A_182, %multiple_of3A_179] : memref<64x1000000xf32, #tpu.memory_space<hbm>> -> memref<64x128xf32, #tpu.memory_space<hbm>>
      tpu.enqueue_dma source(%dma_start3A_183 : memref<64x128xf32, #tpu.memory_space<hbm>>) target(%arg8 : memref<64x128xf32, #tpu.memory_space<vmem>>) target_semaphore(%arg15 : memref<!tpu.dma_semaphore, #tpu.memory_space<semaphore_mem>>)
      %shift_right_arithmetic3A_184 = arith.constant 7 : i32
      %shift_right_arithmetic3A_185 = arith.shrsi %reduce_sum3A_39, %shift_right_arithmetic3A_184 : i32
      %shift_left3A_186 = arith.constant 7 : i32
      %shift_left3A_187 = arith.shli %shift_right_arithmetic3A_185, %shift_left3A_186 : i32
      %multiple_of3A_188 = tpu.assume_multiple %shift_left3A_187, 128 : i32
      %dma_start3A_189 = arith.constant 0 : i32
      %dma_start3A_190 = tpu.memref_slice %arg2[%dma_start3A_189, %multiple_of3A_188] : memref<64x1000000xf32, #tpu.memory_space<hbm>> -> memref<64x128xf32, #tpu.memory_space<hbm>>
      %dma_start3A_191 = arith.constant 0 : i32
      %dma_start3A_192 = tpu.memref_slice %arg2[%dma_start3A_191, %multiple_of3A_188] : memref<64x1000000xf32, #tpu.memory_space<hbm>> -> memref<64x128xf32, #tpu.memory_space<hbm>>
      tpu.enqueue_dma source(%dma_start3A_192 : memref<64x128xf32, #tpu.memory_space<hbm>>) target(%arg9 : memref<64x128xf32, #tpu.memory_space<vmem>>) target_semaphore(%arg16 : memref<!tpu.dma_semaphore, #tpu.memory_space<semaphore_mem>>)
      %shift_right_arithmetic3A_193 = arith.constant 7 : i32
      %shift_right_arithmetic3A_194 = arith.shrsi %reduce_sum3A_49, %shift_right_arithmetic3A_193 : i32
      %shift_left3A_195 = arith.constant 7 : i32
      %shift_left3A_196 = arith.shli %shift_right_arithmetic3A_194, %shift_left3A_195 : i32
      %multiple_of3A_197 = tpu.assume_multiple %shift_left3A_196, 128 : i32
      %dma_start3A_198 = arith.constant 0 : i32
      %dma_start3A_199 = tpu.memref_slice %arg2[%dma_start3A_198, %multiple_of3A_197] : memref<64x1000000xf32, #tpu.memory_space<hbm>> -> memref<64x128xf32, #tpu.memory_space<hbm>>
      %dma_start3A_200 = arith.constant 0 : i32
      %dma_start3A_201 = tpu.memref_slice %arg2[%dma_start3A_200, %multiple_of3A_197] : memref<64x1000000xf32, #tpu.memory_space<hbm>> -> memref<64x128xf32, #tpu.memory_space<hbm>>
      tpu.enqueue_dma source(%dma_start3A_201 : memref<64x128xf32, #tpu.memory_space<hbm>>) target(%arg10 : memref<64x128xf32, #tpu.memory_space<vmem>>) target_semaphore(%arg17 : memref<!tpu.dma_semaphore, #tpu.memory_space<semaphore_mem>>)
      %shift_right_arithmetic3A_202 = arith.constant 7 : i32
      %shift_right_arithmetic3A_203 = arith.shrsi %reduce_sum3A_59, %shift_right_arithmetic3A_202 : i32
      %shift_left3A_204 = arith.constant 7 : i32
      %shift_left3A_205 = arith.shli %shift_right_arithmetic3A_203, %shift_left3A_204 : i32
      %multiple_of3A_206 = tpu.assume_multiple %shift_left3A_205, 128 : i32
      %dma_start3A_207 = arith.constant 0 : i32
      %dma_start3A_208 = tpu.memref_slice %arg2[%dma_start3A_207, %multiple_of3A_206] : memref<64x1000000xf32, #tpu.memory_space<hbm>> -> memref<64x128xf32, #tpu.memory_space<hbm>>
      %dma_start3A_209 = arith.constant 0 : i32
      %dma_start3A_210 = tpu.memref_slice %arg2[%dma_start3A_209, %multiple_of3A_206] : memref<64x1000000xf32, #tpu.memory_space<hbm>> -> memref<64x128xf32, #tpu.memory_space<hbm>>
      tpu.enqueue_dma source(%dma_start3A_210 : memref<64x128xf32, #tpu.memory_space<hbm>>) target(%arg11 : memref<64x128xf32, #tpu.memory_space<vmem>>) target_semaphore(%arg18 : memref<!tpu.dma_semaphore, #tpu.memory_space<semaphore_mem>>)
      %shift_right_arithmetic3A_211 = arith.constant 7 : i32
      %shift_right_arithmetic3A_212 = arith.shrsi %reduce_sum3A_69, %shift_right_arithmetic3A_211 : i32
      %shift_left3A_213 = arith.constant 7 : i32
      %shift_left3A_214 = arith.shli %shift_right_arithmetic3A_212, %shift_left3A_213 : i32
      %multiple_of3A_215 = tpu.assume_multiple %shift_left3A_214, 128 : i32
      %dma_start3A_216 = arith.constant 0 : i32
      %dma_start3A_217 = tpu.memref_slice %arg2[%dma_start3A_216, %multiple_of3A_215] : memref<64x1000000xf32, #tpu.memory_space<hbm>> -> memref<64x128xf32, #tpu.memory_space<hbm>>
      %dma_start3A_218 = arith.constant 0 : i32
      %dma_start3A_219 = tpu.memref_slice %arg2[%dma_start3A_218, %multiple_of3A_215] : memref<64x1000000xf32, #tpu.memory_space<hbm>> -> memref<64x128xf32, #tpu.memory_space<hbm>>
      tpu.enqueue_dma source(%dma_start3A_219 : memref<64x128xf32, #tpu.memory_space<hbm>>) target(%arg12 : memref<64x128xf32, #tpu.memory_space<vmem>>) target_semaphore(%arg19 : memref<!tpu.dma_semaphore, #tpu.memory_space<semaphore_mem>>)
      %shift_right_arithmetic3A_220 = arith.constant 7 : i32
      %shift_right_arithmetic3A_221 = arith.shrsi %reduce_sum3A_79, %shift_right_arithmetic3A_220 : i32
      %shift_left3A_222 = arith.constant 7 : i32
      %shift_left3A_223 = arith.shli %shift_right_arithmetic3A_221, %shift_left3A_222 : i32
      %multiple_of3A_224 = tpu.assume_multiple %shift_left3A_223, 128 : i32
      %dma_start3A_225 = arith.constant 0 : i32
      %dma_start3A_226 = tpu.memref_slice %arg2[%dma_start3A_225, %multiple_of3A_224] : memref<64x1000000xf32, #tpu.memory_space<hbm>> -> memref<64x128xf32, #tpu.memory_space<hbm>>
      %dma_start3A_227 = arith.constant 0 : i32
      %dma_start3A_228 = tpu.memref_slice %arg2[%dma_start3A_227, %multiple_of3A_224] : memref<64x1000000xf32, #tpu.memory_space<hbm>> -> memref<64x128xf32, #tpu.memory_space<hbm>>
      tpu.enqueue_dma source(%dma_start3A_228 : memref<64x128xf32, #tpu.memory_space<hbm>>) target(%arg13 : memref<64x128xf32, #tpu.memory_space<vmem>>) target_semaphore(%arg20 : memref<!tpu.dma_semaphore, #tpu.memory_space<semaphore_mem>>)
      %dma_wait3A = arith.constant 0 : i32
      %dma_wait3A_229 = tpu.memref_slice %arg2[%dma_wait3A, %multiple_of3A] : memref<64x1000000xf32, #tpu.memory_space<hbm>> -> memref<64x128xf32, #tpu.memory_space<hbm>>
      %dma_wait3A_230 = arith.constant 0 : i32
      %dma_wait3A_231 = tpu.memref_slice %arg2[%dma_wait3A_230, %multiple_of3A] : memref<64x1000000xf32, #tpu.memory_space<hbm>> -> memref<64x128xf32, #tpu.memory_space<hbm>>
      tpu.wait_dma2 semaphore(%arg14 : memref<!tpu.dma_semaphore, #tpu.memory_space<semaphore_mem>>) src(%dma_wait3A_231 : memref<64x128xf32, #tpu.memory_space<hbm>>) dst(%arg7 : memref<64x128xf32, #tpu.memory_space<vmem>>)
      %and3A = arith.constant 127 : i32
      %and3A_232 = arith.andi %reduce_sum3A_19, %and3A : i32
      %broadcast_in_dim3A_233 = vector.broadcast %and3A_232 : i32 to vector<16xi32>
      %mul3A_234 = arith.constant 16 : i32
      %mul3A_235 = arith.muli %add3A_11, %mul3A_234 : i32
      %add3A_236 = arith.constant 0 : i32
      %add3A_237 = arith.addi %mul3A_235, %add3A_236 : i32
      %add3A_238 = arith.constant 0 : i32
      %add3A_239 = vector.broadcast %add3A_238 : i32 to vector<16xi32>
      %add3A_240 = arith.addi %add3A_239, %iota3A : vector<16xi32>
      %gather3A = tpu.vector_load_idx %arg7[%add3A_240, %broadcast_in_dim3A_233] : memref<64x128xf32, #tpu.memory_space<vmem>>[vector<16xi32>, vector<16xi32>], vector<16xf32>,
      %swap3A = arith.index_cast %add3A_237 : i32 to index
      %swap3A_241 = arith.constant 0 : index
      %swap3A_242 = tpu.vector_load %arg6[%swap3A, %swap3A_241] {strides = array<i32>} : memref<512x64xf32, #tpu.memory_space<vmem>>, vector<16xf32>,
      tpu.vector_store %arg6[%swap3A, %swap3A_241], %gather3A {strides = array<i32>} : memref<512x64xf32, #tpu.memory_space<vmem>>, vector<16xf32>,
      %add3A_243 = arith.constant 16 : i32
      %add3A_244 = vector.broadcast %add3A_243 : i32 to vector<16xi32>
      %add3A_245 = arith.addi %add3A_244, %iota3A : vector<16xi32>
      %gather3A_246 = tpu.vector_load_idx %arg7[%add3A_245, %broadcast_in_dim3A_233] : memref<64x128xf32, #tpu.memory_space<vmem>>[vector<16xi32>, vector<16xi32>], vector<16xf32>,
      %swap3A_247 = arith.index_cast %add3A_237 : i32 to index
      %swap3A_248 = arith.constant 16 : index
      %swap3A_249 = tpu.vector_load %arg6[%swap3A_247, %swap3A_248] {strides = array<i32>} : memref<512x64xf32, #tpu.memory_space<vmem>>, vector<16xf32>,
      tpu.vector_store %arg6[%swap3A_247, %swap3A_248], %gather3A_246 {strides = array<i32>} : memref<512x64xf32, #tpu.memory_space<vmem>>, vector<16xf32>,
      %add3A_250 = arith.constant 32 : i32
      %add3A_251 = vector.broadcast %add3A_250 : i32 to vector<16xi32>
      %add3A_252 = arith.addi %add3A_251, %iota3A : vector<16xi32>
      %gather3A_253 = tpu.vector_load_idx %arg7[%add3A_252, %broadcast_in_dim3A_233] : memref<64x128xf32, #tpu.memory_space<vmem>>[vector<16xi32>, vector<16xi32>], vector<16xf32>,
      %swap3A_254 = arith.index_cast %add3A_237 : i32 to index
      %swap3A_255 = arith.constant 32 : index
      %swap3A_256 = tpu.vector_load %arg6[%swap3A_254, %swap3A_255] {strides = array<i32>} : memref<512x64xf32, #tpu.memory_space<vmem>>, vector<16xf32>,
      tpu.vector_store %arg6[%swap3A_254, %swap3A_255], %gather3A_253 {strides = array<i32>} : memref<512x64xf32, #tpu.memory_space<vmem>>, vector<16xf32>,
      %add3A_257 = arith.constant 48 : i32
      %add3A_258 = vector.broadcast %add3A_257 : i32 to vector<16xi32>
      %add3A_259 = arith.addi %add3A_258, %iota3A : vector<16xi32>
      %gather3A_260 = tpu.vector_load_idx %arg7[%add3A_259, %broadcast_in_dim3A_233] : memref<64x128xf32, #tpu.memory_space<vmem>>[vector<16xi32>, vector<16xi32>], vector<16xf32>,
      %swap3A_261 = arith.index_cast %add3A_237 : i32 to index
      %swap3A_262 = arith.constant 48 : index
      %swap3A_263 = tpu.vector_load %arg6[%swap3A_261, %swap3A_262] {strides = array<i32>} : memref<512x64xf32, #tpu.memory_space<vmem>>, vector<16xf32>,
      tpu.vector_store %arg6[%swap3A_261, %swap3A_262], %gather3A_260 {strides = array<i32>} : memref<512x64xf32, #tpu.memory_space<vmem>>, vector<16xf32>,
      %shift_right_arithmetic3A_264 = arith.constant 7 : i32
      %shift_right_arithmetic3A_265 = arith.shrsi %reduce_sum3A_89, %shift_right_arithmetic3A_264 : i32
      %shift_left3A_266 = arith.constant 7 : i32
      %shift_left3A_267 = arith.shli %shift_right_arithmetic3A_265, %shift_left3A_266 : i32
      %multiple_of3A_268 = tpu.assume_multiple %shift_left3A_267, 128 : i32
      %dma_start3A_269 = arith.constant 0 : i32
      %dma_start3A_270 = tpu.memref_slice %arg2[%dma_start3A_269, %multiple_of3A_268] : memref<64x1000000xf32, #tpu.memory_space<hbm>> -> memref<64x128xf32, #tpu.memory_space<hbm>>
      %dma_start3A_271 = arith.constant 0 : i32
      %dma_start3A_272 = tpu.memref_slice %arg2[%dma_start3A_271, %multiple_of3A_268] : memref<64x1000000xf32, #tpu.memory_space<hbm>> -> memref<64x128xf32, #tpu.memory_space<hbm>>
      tpu.enqueue_dma source(%dma_start3A_272 : memref<64x128xf32, #tpu.memory_space<hbm>>) target(%arg7 : memref<64x128xf32, #tpu.memory_space<vmem>>) target_semaphore(%arg14 : memref<!tpu.dma_semaphore, #tpu.memory_space<semaphore_mem>>)
      %dma_wait3A_273 = arith.constant 0 : i32
      %dma_wait3A_274 = tpu.memref_slice %arg2[%dma_wait3A_273, %multiple_of3A_179] : memref<64x1000000xf32, #tpu.memory_space<hbm>> -> memref<64x128xf32, #tpu.memory_space<hbm>>
      %dma_wait3A_275 = arith.constant 0 : i32
      %dma_wait3A_276 = tpu.memref_slice %arg2[%dma_wait3A_275, %multiple_of3A_179] : memref<64x1000000xf32, #tpu.memory_space<hbm>> -> memref<64x128xf32, #tpu.memory_space<hbm>>
      tpu.wait_dma2 semaphore(%arg15 : memref<!tpu.dma_semaphore, #tpu.memory_space<semaphore_mem>>) src(%dma_wait3A_276 : memref<64x128xf32, #tpu.memory_space<hbm>>) dst(%arg8 : memref<64x128xf32, #tpu.memory_space<vmem>>)
      %and3A_277 = arith.constant 127 : i32
      %and3A_278 = arith.andi %reduce_sum3A_29, %and3A_277 : i32
      %broadcast_in_dim3A_279 = vector.broadcast %and3A_278 : i32 to vector<16xi32>
      %mul3A_280 = arith.constant 16 : i32
      %mul3A_281 = arith.muli %add3A_11, %mul3A_280 : i32
      %add3A_282 = arith.constant 1 : i32
      %add3A_283 = arith.addi %mul3A_281, %add3A_282 : i32
      %add3A_284 = arith.constant 0 : i32
      %add3A_285 = vector.broadcast %add3A_284 : i32 to vector<16xi32>
      %add3A_286 = arith.addi %add3A_285, %iota3A : vector<16xi32>
      %gather3A_287 = tpu.vector_load_idx %arg8[%add3A_286, %broadcast_in_dim3A_279] : memref<64x128xf32, #tpu.memory_space<vmem>>[vector<16xi32>, vector<16xi32>], vector<16xf32>,
      %swap3A_288 = arith.index_cast %add3A_283 : i32 to index
      %swap3A_289 = arith.constant 0 : index
      %swap3A_290 = tpu.vector_load %arg6[%swap3A_288, %swap3A_289] {strides = array<i32>} : memref<512x64xf32, #tpu.memory_space<vmem>>, vector<16xf32>,
      tpu.vector_store %arg6[%swap3A_288, %swap3A_289], %gather3A_287 {strides = array<i32>} : memref<512x64xf32, #tpu.memory_space<vmem>>, vector<16xf32>,
      %add3A_291 = arith.constant 16 : i32
      %add3A_292 = vector.broadcast %add3A_291 : i32 to vector<16xi32>
      %add3A_293 = arith.addi %add3A_292, %iota3A : vector<16xi32>
      %gather3A_294 = tpu.vector_load_idx %arg8[%add3A_293, %broadcast_in_dim3A_279] : memref<64x128xf32, #tpu.memory_space<vmem>>[vector<16xi32>, vector<16xi32>], vector<16xf32>,
      %swap3A_295 = arith.index_cast %add3A_283 : i32 to index
      %swap3A_296 = arith.constant 16 : index
      %swap3A_297 = tpu.vector_load %arg6[%swap3A_295, %swap3A_296] {strides = array<i32>} : memref<512x64xf32, #tpu.memory_space<vmem>>, vector<16xf32>,
      tpu.vector_store %arg6[%swap3A_295, %swap3A_296], %gather3A_294 {strides = array<i32>} : memref<512x64xf32, #tpu.memory_space<vmem>>, vector<16xf32>,
      %add3A_298 = arith.constant 32 : i32
      %add3A_299 = vector.broadcast %add3A_298 : i32 to vector<16xi32>
      %add3A_300 = arith.addi %add3A_299, %iota3A : vector<16xi32>
      %gather3A_301 = tpu.vector_load_idx %arg8[%add3A_300, %broadcast_in_dim3A_279] : memref<64x128xf32, #tpu.memory_space<vmem>>[vector<16xi32>, vector<16xi32>], vector<16xf32>,
      %swap3A_302 = arith.index_cast %add3A_283 : i32 to index
      %swap3A_303 = arith.constant 32 : index
      %swap3A_304 = tpu.vector_load %arg6[%swap3A_302, %swap3A_303] {strides = array<i32>} : memref<512x64xf32, #tpu.memory_space<vmem>>, vector<16xf32>,
      tpu.vector_store %arg6[%swap3A_302, %swap3A_303], %gather3A_301 {strides = array<i32>} : memref<512x64xf32, #tpu.memory_space<vmem>>, vector<16xf32>,
      %add3A_305 = arith.constant 48 : i32
      %add3A_306 = vector.broadcast %add3A_305 : i32 to vector<16xi32>
      %add3A_307 = arith.addi %add3A_306, %iota3A : vector<16xi32>
      %gather3A_308 = tpu.vector_load_idx %arg8[%add3A_307, %broadcast_in_dim3A_279] : memref<64x128xf32, #tpu.memory_space<vmem>>[vector<16xi32>, vector<16xi32>], vector<16xf32>,
      %swap3A_309 = arith.index_cast %add3A_283 : i32 to index
      %swap3A_310 = arith.constant 48 : index
      %swap3A_311 = tpu.vector_load %arg6[%swap3A_309, %swap3A_310] {strides = array<i32>} : memref<512x64xf32, #tpu.memory_space<vmem>>, vector<16xf32>,
      tpu.vector_store %arg6[%swap3A_309, %swap3A_310], %gather3A_308 {strides = array<i32>} : memref<512x64xf32, #tpu.memory_space<vmem>>, vector<16xf32>,
      %shift_right_arithmetic3A_312 = arith.constant 7 : i32
      %shift_right_arithmetic3A_313 = arith.shrsi %reduce_sum3A_99, %shift_right_arithmetic3A_312 : i32
      %shift_left3A_314 = arith.constant 7 : i32
      %shift_left3A_315 = arith.shli %shift_right_arithmetic3A_313, %shift_left3A_314 : i32
      %multiple_of3A_316 = tpu.assume_multiple %shift_left3A_315, 128 : i32
      %dma_start3A_317 = arith.constant 0 : i32
      %dma_start3A_318 = tpu.memref_slice %arg2[%dma_start3A_317, %multiple_of3A_316] : memref<64x1000000xf32, #tpu.memory_space<hbm>> -> memref<64x128xf32, #tpu.memory_space<hbm>>
      %dma_start3A_319 = arith.constant 0 : i32
      %dma_start3A_320 = tpu.memref_slice %arg2[%dma_start3A_319, %multiple_of3A_316] : memref<64x1000000xf32, #tpu.memory_space<hbm>> -> memref<64x128xf32, #tpu.memory_space<hbm>>
      tpu.enqueue_dma source(%dma_start3A_320 : memref<64x128xf32, #tpu.memory_space<hbm>>) target(%arg8 : memref<64x128xf32, #tpu.memory_space<vmem>>) target_semaphore(%arg15 : memref<!tpu.dma_semaphore, #tpu.memory_space<semaphore_mem>>)
      %dma_wait3A_321 = arith.constant 0 : i32
      %dma_wait3A_322 = tpu.memref_slice %arg2[%dma_wait3A_321, %multiple_of3A_188] : memref<64x1000000xf32, #tpu.memory_space<hbm>> -> memref<64x128xf32, #tpu.memory_space<hbm>>
      %dma_wait3A_323 = arith.constant 0 : i32
      %dma_wait3A_324 = tpu.memref_slice %arg2[%dma_wait3A_323, %multiple_of3A_188] : memref<64x1000000xf32, #tpu.memory_space<hbm>> -> memref<64x128xf32, #tpu.memory_space<hbm>>
      tpu.wait_dma2 semaphore(%arg16 : memref<!tpu.dma_semaphore, #tpu.memory_space<semaphore_mem>>) src(%dma_wait3A_324 : memref<64x128xf32, #tpu.memory_space<hbm>>) dst(%arg9 : memref<64x128xf32, #tpu.memory_space<vmem>>)
      %and3A_325 = arith.constant 127 : i32
      %and3A_326 = arith.andi %reduce_sum3A_39, %and3A_325 : i32
      %broadcast_in_dim3A_327 = vector.broadcast %and3A_326 : i32 to vector<16xi32>
      %mul3A_328 = arith.constant 16 : i32
      %mul3A_329 = arith.muli %add3A_11, %mul3A_328 : i32
      %add3A_330 = arith.constant 2 : i32
      %add3A_331 = arith.addi %mul3A_329, %add3A_330 : i32
      %add3A_332 = arith.constant 0 : i32
      %add3A_333 = vector.broadcast %add3A_332 : i32 to vector<16xi32>
      %add3A_334 = arith.addi %add3A_333, %iota3A : vector<16xi32>
      %gather3A_335 = tpu.vector_load_idx %arg9[%add3A_334, %broadcast_in_dim3A_327] : memref<64x128xf32, #tpu.memory_space<vmem>>[vector<16xi32>, vector<16xi32>], vector<16xf32>,
      %swap3A_336 = arith.index_cast %add3A_331 : i32 to index
      %swap3A_337 = arith.constant 0 : index
      %swap3A_338 = tpu.vector_load %arg6[%swap3A_336, %swap3A_337] {strides = array<i32>} : memref<512x64xf32, #tpu.memory_space<vmem>>, vector<16xf32>,
      tpu.vector_store %arg6[%swap3A_336, %swap3A_337], %gather3A_335 {strides = array<i32>} : memref<512x64xf32, #tpu.memory_space<vmem>>, vector<16xf32>,
      %add3A_339 = arith.constant 16 : i32
      %add3A_340 = vector.broadcast %add3A_339 : i32 to vector<16xi32>
      %add3A_341 = arith.addi %add3A_340, %iota3A : vector<16xi32>
      %gather3A_342 = tpu.vector_load_idx %arg9[%add3A_341, %broadcast_in_dim3A_327] : memref<64x128xf32, #tpu.memory_space<vmem>>[vector<16xi32>, vector<16xi32>], vector<16xf32>,
      %swap3A_343 = arith.index_cast %add3A_331 : i32 to index
      %swap3A_344 = arith.constant 16 : index
      %swap3A_345 = tpu.vector_load %arg6[%swap3A_343, %swap3A_344] {strides = array<i32>} : memref<512x64xf32, #tpu.memory_space<vmem>>, vector<16xf32>,
      tpu.vector_store %arg6[%swap3A_343, %swap3A_344], %gather3A_342 {strides = array<i32>} : memref<512x64xf32, #tpu.memory_space<vmem>>, vector<16xf32>,
      %add3A_346 = arith.constant 32 : i32
      %add3A_347 = vector.broadcast %add3A_346 : i32 to vector<16xi32>
      %add3A_348 = arith.addi %add3A_347, %iota3A : vector<16xi32>
      %gather3A_349 = tpu.vector_load_idx %arg9[%add3A_348, %broadcast_in_dim3A_327] : memref<64x128xf32, #tpu.memory_space<vmem>>[vector<16xi32>, vector<16xi32>], vector<16xf32>,
      %swap3A_350 = arith.index_cast %add3A_331 : i32 to index
      %swap3A_351 = arith.constant 32 : index
      %swap3A_352 = tpu.vector_load %arg6[%swap3A_350, %swap3A_351] {strides = array<i32>} : memref<512x64xf32, #tpu.memory_space<vmem>>, vector<16xf32>,
      tpu.vector_store %arg6[%swap3A_350, %swap3A_351], %gather3A_349 {strides = array<i32>} : memref<512x64xf32, #tpu.memory_space<vmem>>, vector<16xf32>,
      %add3A_353 = arith.constant 48 : i32
      %add3A_354 = vector.broadcast %add3A_353 : i32 to vector<16xi32>
      %add3A_355 = arith.addi %add3A_354, %iota3A : vector<16xi32>
      %gather3A_356 = tpu.vector_load_idx %arg9[%add3A_355, %broadcast_in_dim3A_327] : memref<64x128xf32, #tpu.memory_space<vmem>>[vector<16xi32>, vector<16xi32>], vector<16xf32>,
      %swap3A_357 = arith.index_cast %add3A_331 : i32 to index
      %swap3A_358 = arith.constant 48 : index
      %swap3A_359 = tpu.vector_load %arg6[%swap3A_357, %swap3A_358] {strides = array<i32>} : memref<512x64xf32, #tpu.memory_space<vmem>>, vector<16xf32>,
      tpu.vector_store %arg6[%swap3A_357, %swap3A_358], %gather3A_356 {strides = array<i32>} : memref<512x64xf32, #tpu.memory_space<vmem>>, vector<16xf32>,
      %shift_right_arithmetic3A_360 = arith.constant 7 : i32
      %shift_right_arithmetic3A_361 = arith.shrsi %reduce_sum3A_109, %shift_right_arithmetic3A_360 : i32
      %shift_left3A_362 = arith.constant 7 : i32
      %shift_left3A_363 = arith.shli %shift_right_arithmetic3A_361, %shift_left3A_362 : i32
      %multiple_of3A_364 = tpu.assume_multiple %shift_left3A_363, 128 : i32
      %dma_start3A_365 = arith.constant 0 : i32
      %dma_start3A_366 = tpu.memref_slice %arg2[%dma_start3A_365, %multiple_of3A_364] : memref<64x1000000xf32, #tpu.memory_space<hbm>> -> memref<64x128xf32, #tpu.memory_space<hbm>>
      %dma_start3A_367 = arith.constant 0 : i32
      %dma_start3A_368 = tpu.memref_slice %arg2[%dma_start3A_367, %multiple_of3A_364] : memref<64x1000000xf32, #tpu.memory_space<hbm>> -> memref<64x128xf32, #tpu.memory_space<hbm>>
      tpu.enqueue_dma source(%dma_start3A_368 : memref<64x128xf32, #tpu.memory_space<hbm>>) target(%arg9 : memref<64x128xf32, #tpu.memory_space<vmem>>) target_semaphore(%arg16 : memref<!tpu.dma_semaphore, #tpu.memory_space<semaphore_mem>>)
      %dma_wait3A_369 = arith.constant 0 : i32
      %dma_wait3A_370 = tpu.memref_slice %arg2[%dma_wait3A_369, %multiple_of3A_197] : memref<64x1000000xf32, #tpu.memory_space<hbm>> -> memref<64x128xf32, #tpu.memory_space<hbm>>
      %dma_wait3A_371 = arith.constant 0 : i32
      %dma_wait3A_372 = tpu.memref_slice %arg2[%dma_wait3A_371, %multiple_of3A_197] : memref<64x1000000xf32, #tpu.memory_space<hbm>> -> memref<64x128xf32, #tpu.memory_space<hbm>>
      tpu.wait_dma2 semaphore(%arg17 : memref<!tpu.dma_semaphore, #tpu.memory_space<semaphore_mem>>) src(%dma_wait3A_372 : memref<64x128xf32, #tpu.memory_space<hbm>>) dst(%arg10 : memref<64x128xf32, #tpu.memory_space<vmem>>)
      %and3A_373 = arith.constant 127 : i32
      %and3A_374 = arith.andi %reduce_sum3A_49, %and3A_373 : i32
      %broadcast_in_dim3A_375 = vector.broadcast %and3A_374 : i32 to vector<16xi32>
      %mul3A_376 = arith.constant 16 : i32
      %mul3A_377 = arith.muli %add3A_11, %mul3A_376 : i32
      %add3A_378 = arith.constant 3 : i32
      %add3A_379 = arith.addi %mul3A_377, %add3A_378 : i32
      %add3A_380 = arith.constant 0 : i32
      %add3A_381 = vector.broadcast %add3A_380 : i32 to vector<16xi32>
      %add3A_382 = arith.addi %add3A_381, %iota3A : vector<16xi32>
      %gather3A_383 = tpu.vector_load_idx %arg10[%add3A_382, %broadcast_in_dim3A_375] : memref<64x128xf32, #tpu.memory_space<vmem>>[vector<16xi32>, vector<16xi32>], vector<16xf32>,
      %swap3A_384 = arith.index_cast %add3A_379 : i32 to index
      %swap3A_385 = arith.constant 0 : index
      %swap3A_386 = tpu.vector_load %arg6[%swap3A_384, %swap3A_385] {strides = array<i32>} : memref<512x64xf32, #tpu.memory_space<vmem>>, vector<16xf32>,
      tpu.vector_store %arg6[%swap3A_384, %swap3A_385], %gather3A_383 {strides = array<i32>} : memref<512x64xf32, #tpu.memory_space<vmem>>, vector<16xf32>,
      %add3A_387 = arith.constant 16 : i32
      %add3A_388 = vector.broadcast %add3A_387 : i32 to vector<16xi32>
      %add3A_389 = arith.addi %add3A_388, %iota3A : vector<16xi32>
      %gather3A_390 = tpu.vector_load_idx %arg10[%add3A_389, %broadcast_in_dim3A_375] : memref<64x128xf32, #tpu.memory_space<vmem>>[vector<16xi32>, vector<16xi32>], vector<16xf32>,
      %swap3A_391 = arith.index_cast %add3A_379 : i32 to index
      %swap3A_392 = arith.constant 16 : index
      %swap3A_393 = tpu.vector_load %arg6[%swap3A_391, %swap3A_392] {strides = array<i32>} : memref<512x64xf32, #tpu.memory_space<vmem>>, vector<16xf32>,
      tpu.vector_store %arg6[%swap3A_391, %swap3A_392], %gather3A_390 {strides = array<i32>} : memref<512x64xf32, #tpu.memory_space<vmem>>, vector<16xf32>,
      %add3A_394 = arith.constant 32 : i32
      %add3A_395 = vector.broadcast %add3A_394 : i32 to vector<16xi32>
      %add3A_396 = arith.addi %add3A_395, %iota3A : vector<16xi32>
      %gather3A_397 = tpu.vector_load_idx %arg10[%add3A_396, %broadcast_in_dim3A_375] : memref<64x128xf32, #tpu.memory_space<vmem>>[vector<16xi32>, vector<16xi32>], vector<16xf32>,
      %swap3A_398 = arith.index_cast %add3A_379 : i32 to index
      %swap3A_399 = arith.constant 32 : index
      %swap3A_400 = tpu.vector_load %arg6[%swap3A_398, %swap3A_399] {strides = array<i32>} : memref<512x64xf32, #tpu.memory_space<vmem>>, vector<16xf32>,
      tpu.vector_store %arg6[%swap3A_398, %swap3A_399], %gather3A_397 {strides = array<i32>} : memref<512x64xf32, #tpu.memory_space<vmem>>, vector<16xf32>,
      %add3A_401 = arith.constant 48 : i32
      %add3A_402 = vector.broadcast %add3A_401 : i32 to vector<16xi32>
      %add3A_403 = arith.addi %add3A_402, %iota3A : vector<16xi32>
      %gather3A_404 = tpu.vector_load_idx %arg10[%add3A_403, %broadcast_in_dim3A_375] : memref<64x128xf32, #tpu.memory_space<vmem>>[vector<16xi32>, vector<16xi32>], vector<16xf32>,
      %swap3A_405 = arith.index_cast %add3A_379 : i32 to index
      %swap3A_406 = arith.constant 48 : index
      %swap3A_407 = tpu.vector_load %arg6[%swap3A_405, %swap3A_406] {strides = array<i32>} : memref<512x64xf32, #tpu.memory_space<vmem>>, vector<16xf32>,
      tpu.vector_store %arg6[%swap3A_405, %swap3A_406], %gather3A_404 {strides = array<i32>} : memref<512x64xf32, #tpu.memory_space<vmem>>, vector<16xf32>,
      %shift_right_arithmetic3A_408 = arith.constant 7 : i32
      %shift_right_arithmetic3A_409 = arith.shrsi %reduce_sum3A_119, %shift_right_arithmetic3A_408 : i32
      %shift_left3A_410 = arith.constant 7 : i32
      %shift_left3A_411 = arith.shli %shift_right_arithmetic3A_409, %shift_left3A_410 : i32
      %multiple_of3A_412 = tpu.assume_multiple %shift_left3A_411, 128 : i32
      %dma_start3A_413 = arith.constant 0 : i32
      %dma_start3A_414 = tpu.memref_slice %arg2[%dma_start3A_413, %multiple_of3A_412] : memref<64x1000000xf32, #tpu.memory_space<hbm>> -> memref<64x128xf32, #tpu.memory_space<hbm>>
      %dma_start3A_415 = arith.constant 0 : i32
      %dma_start3A_416 = tpu.memref_slice %arg2[%dma_start3A_415, %multiple_of3A_412] : memref<64x1000000xf32, #tpu.memory_space<hbm>> -> memref<64x128xf32, #tpu.memory_space<hbm>>
      tpu.enqueue_dma source(%dma_start3A_416 : memref<64x128xf32, #tpu.memory_space<hbm>>) target(%arg10 : memref<64x128xf32, #tpu.memory_space<vmem>>) target_semaphore(%arg17 : memref<!tpu.dma_semaphore, #tpu.memory_space<semaphore_mem>>)
      %dma_wait3A_417 = arith.constant 0 : i32
      %dma_wait3A_418 = tpu.memref_slice %arg2[%dma_wait3A_417, %multiple_of3A_206] : memref<64x1000000xf32, #tpu.memory_space<hbm>> -> memref<64x128xf32, #tpu.memory_space<hbm>>
      %dma_wait3A_419 = arith.constant 0 : i32
      %dma_wait3A_420 = tpu.memref_slice %arg2[%dma_wait3A_419, %multiple_of3A_206] : memref<64x1000000xf32, #tpu.memory_space<hbm>> -> memref<64x128xf32, #tpu.memory_space<hbm>>
      tpu.wait_dma2 semaphore(%arg18 : memref<!tpu.dma_semaphore, #tpu.memory_space<semaphore_mem>>) src(%dma_wait3A_420 : memref<64x128xf32, #tpu.memory_space<hbm>>) dst(%arg11 : memref<64x128xf32, #tpu.memory_space<vmem>>)
      %and3A_421 = arith.constant 127 : i32
      %and3A_422 = arith.andi %reduce_sum3A_59, %and3A_421 : i32
      %broadcast_in_dim3A_423 = vector.broadcast %and3A_422 : i32 to vector<16xi32>
      %mul3A_424 = arith.constant 16 : i32
      %mul3A_425 = arith.muli %add3A_11, %mul3A_424 : i32
      %add3A_426 = arith.constant 4 : i32
      %add3A_427 = arith.addi %mul3A_425, %add3A_426 : i32
      %add3A_428 = arith.constant 0 : i32
      %add3A_429 = vector.broadcast %add3A_428 : i32 to vector<16xi32>
      %add3A_430 = arith.addi %add3A_429, %iota3A : vector<16xi32>
      %gather3A_431 = tpu.vector_load_idx %arg11[%add3A_430, %broadcast_in_dim3A_423] : memref<64x128xf32, #tpu.memory_space<vmem>>[vector<16xi32>, vector<16xi32>], vector<16xf32>,
      %swap3A_432 = arith.index_cast %add3A_427 : i32 to index
      %swap3A_433 = arith.constant 0 : index
      %swap3A_434 = tpu.vector_load %arg6[%swap3A_432, %swap3A_433] {strides = array<i32>} : memref<512x64xf32, #tpu.memory_space<vmem>>, vector<16xf32>,
      tpu.vector_store %arg6[%swap3A_432, %swap3A_433], %gather3A_431 {strides = array<i32>} : memref<512x64xf32, #tpu.memory_space<vmem>>, vector<16xf32>,
      %add3A_435 = arith.constant 16 : i32
      %add3A_436 = vector.broadcast %add3A_435 : i32 to vector<16xi32>
      %add3A_437 = arith.addi %add3A_436, %iota3A : vector<16xi32>
      %gather3A_438 = tpu.vector_load_idx %arg11[%add3A_437, %broadcast_in_dim3A_423] : memref<64x128xf32, #tpu.memory_space<vmem>>[vector<16xi32>, vector<16xi32>], vector<16xf32>,
      %swap3A_439 = arith.index_cast %add3A_427 : i32 to index
      %swap3A_440 = arith.constant 16 : index
      %swap3A_441 = tpu.vector_load %arg6[%swap3A_439, %swap3A_440] {strides = array<i32>} : memref<512x64xf32, #tpu.memory_space<vmem>>, vector<16xf32>,
      tpu.vector_store %arg6[%swap3A_439, %swap3A_440], %gather3A_438 {strides = array<i32>} : memref<512x64xf32, #tpu.memory_space<vmem>>, vector<16xf32>,
      %add3A_442 = arith.constant 32 : i32
      %add3A_443 = vector.broadcast %add3A_442 : i32 to vector<16xi32>
      %add3A_444 = arith.addi %add3A_443, %iota3A : vector<16xi32>
      %gather3A_445 = tpu.vector_load_idx %arg11[%add3A_444, %broadcast_in_dim3A_423] : memref<64x128xf32, #tpu.memory_space<vmem>>[vector<16xi32>, vector<16xi32>], vector<16xf32>,
      %swap3A_446 = arith.index_cast %add3A_427 : i32 to index
      %swap3A_447 = arith.constant 32 : index
      %swap3A_448 = tpu.vector_load %arg6[%swap3A_446, %swap3A_447] {strides = array<i32>} : memref<512x64xf32, #tpu.memory_space<vmem>>, vector<16xf32>,
      tpu.vector_store %arg6[%swap3A_446, %swap3A_447], %gather3A_445 {strides = array<i32>} : memref<512x64xf32, #tpu.memory_space<vmem>>, vector<16xf32>,
      %add3A_449 = arith.constant 48 : i32
      %add3A_450 = vector.broadcast %add3A_449 : i32 to vector<16xi32>
      %add3A_451 = arith.addi %add3A_450, %iota3A : vector<16xi32>
      %gather3A_452 = tpu.vector_load_idx %arg11[%add3A_451, %broadcast_in_dim3A_423] : memref<64x128xf32, #tpu.memory_space<vmem>>[vector<16xi32>, vector<16xi32>], vector<16xf32>,
      %swap3A_453 = arith.index_cast %add3A_427 : i32 to index
      %swap3A_454 = arith.constant 48 : index
      %swap3A_455 = tpu.vector_load %arg6[%swap3A_453, %swap3A_454] {strides = array<i32>} : memref<512x64xf32, #tpu.memory_space<vmem>>, vector<16xf32>,
      tpu.vector_store %arg6[%swap3A_453, %swap3A_454], %gather3A_452 {strides = array<i32>} : memref<512x64xf32, #tpu.memory_space<vmem>>, vector<16xf32>,
      %shift_right_arithmetic3A_456 = arith.constant 7 : i32
      %shift_right_arithmetic3A_457 = arith.shrsi %reduce_sum3A_129, %shift_right_arithmetic3A_456 : i32
      %shift_left3A_458 = arith.constant 7 : i32
      %shift_left3A_459 = arith.shli %shift_right_arithmetic3A_457, %shift_left3A_458 : i32
      %multiple_of3A_460 = tpu.assume_multiple %shift_left3A_459, 128 : i32
      %dma_start3A_461 = arith.constant 0 : i32
      %dma_start3A_462 = tpu.memref_slice %arg2[%dma_start3A_461, %multiple_of3A_460] : memref<64x1000000xf32, #tpu.memory_space<hbm>> -> memref<64x128xf32, #tpu.memory_space<hbm>>
      %dma_start3A_463 = arith.constant 0 : i32
      %dma_start3A_464 = tpu.memref_slice %arg2[%dma_start3A_463, %multiple_of3A_460] : memref<64x1000000xf32, #tpu.memory_space<hbm>> -> memref<64x128xf32, #tpu.memory_space<hbm>>
      tpu.enqueue_dma source(%dma_start3A_464 : memref<64x128xf32, #tpu.memory_space<hbm>>) target(%arg11 : memref<64x128xf32, #tpu.memory_space<vmem>>) target_semaphore(%arg18 : memref<!tpu.dma_semaphore, #tpu.memory_space<semaphore_mem>>)
      %dma_wait3A_465 = arith.constant 0 : i32
      %dma_wait3A_466 = tpu.memref_slice %arg2[%dma_wait3A_465, %multiple_of3A_215] : memref<64x1000000xf32, #tpu.memory_space<hbm>> -> memref<64x128xf32, #tpu.memory_space<hbm>>
      %dma_wait3A_467 = arith.constant 0 : i32
      %dma_wait3A_468 = tpu.memref_slice %arg2[%dma_wait3A_467, %multiple_of3A_215] : memref<64x1000000xf32, #tpu.memory_space<hbm>> -> memref<64x128xf32, #tpu.memory_space<hbm>>
      tpu.wait_dma2 semaphore(%arg19 : memref<!tpu.dma_semaphore, #tpu.memory_space<semaphore_mem>>) src(%dma_wait3A_468 : memref<64x128xf32, #tpu.memory_space<hbm>>) dst(%arg12 : memref<64x128xf32, #tpu.memory_space<vmem>>)
      %and3A_469 = arith.constant 127 : i32
      %and3A_470 = arith.andi %reduce_sum3A_69, %and3A_469 : i32
      %broadcast_in_dim3A_471 = vector.broadcast %and3A_470 : i32 to vector<16xi32>
      %mul3A_472 = arith.constant 16 : i32
      %mul3A_473 = arith.muli %add3A_11, %mul3A_472 : i32
      %add3A_474 = arith.constant 5 : i32
      %add3A_475 = arith.addi %mul3A_473, %add3A_474 : i32
      %add3A_476 = arith.constant 0 : i32
      %add3A_477 = vector.broadcast %add3A_476 : i32 to vector<16xi32>
      %add3A_478 = arith.addi %add3A_477, %iota3A : vector<16xi32>
      %gather3A_479 = tpu.vector_load_idx %arg12[%add3A_478, %broadcast_in_dim3A_471] : memref<64x128xf32, #tpu.memory_space<vmem>>[vector<16xi32>, vector<16xi32>], vector<16xf32>,
      %swap3A_480 = arith.index_cast %add3A_475 : i32 to index
      %swap3A_481 = arith.constant 0 : index
      %swap3A_482 = tpu.vector_load %arg6[%swap3A_480, %swap3A_481] {strides = array<i32>} : memref<512x64xf32, #tpu.memory_space<vmem>>, vector<16xf32>,
      tpu.vector_store %arg6[%swap3A_480, %swap3A_481], %gather3A_479 {strides = array<i32>} : memref<512x64xf32, #tpu.memory_space<vmem>>, vector<16xf32>,
      %add3A_483 = arith.constant 16 : i32
      %add3A_484 = vector.broadcast %add3A_483 : i32 to vector<16xi32>
      %add3A_485 = arith.addi %add3A_484, %iota3A : vector<16xi32>
      %gather3A_486 = tpu.vector_load_idx %arg12[%add3A_485, %broadcast_in_dim3A_471] : memref<64x128xf32, #tpu.memory_space<vmem>>[vector<16xi32>, vector<16xi32>], vector<16xf32>,
      %swap3A_487 = arith.index_cast %add3A_475 : i32 to index
      %swap3A_488 = arith.constant 16 : index
      %swap3A_489 = tpu.vector_load %arg6[%swap3A_487, %swap3A_488] {strides = array<i32>} : memref<512x64xf32, #tpu.memory_space<vmem>>, vector<16xf32>,
      tpu.vector_store %arg6[%swap3A_487, %swap3A_488], %gather3A_486 {strides = array<i32>} : memref<512x64xf32, #tpu.memory_space<vmem>>, vector<16xf32>,
      %add3A_490 = arith.constant 32 : i32
      %add3A_491 = vector.broadcast %add3A_490 : i32 to vector<16xi32>
      %add3A_492 = arith.addi %add3A_491, %iota3A : vector<16xi32>
      %gather3A_493 = tpu.vector_load_idx %arg12[%add3A_492, %broadcast_in_dim3A_471] : memref<64x128xf32, #tpu.memory_space<vmem>>[vector<16xi32>, vector<16xi32>], vector<16xf32>,
      %swap3A_494 = arith.index_cast %add3A_475 : i32 to index
      %swap3A_495 = arith.constant 32 : index
      %swap3A_496 = tpu.vector_load %arg6[%swap3A_494, %swap3A_495] {strides = array<i32>} : memref<512x64xf32, #tpu.memory_space<vmem>>, vector<16xf32>,
      tpu.vector_store %arg6[%swap3A_494, %swap3A_495], %gather3A_493 {strides = array<i32>} : memref<512x64xf32, #tpu.memory_space<vmem>>, vector<16xf32>,
      %add3A_497 = arith.constant 48 : i32
      %add3A_498 = vector.broadcast %add3A_497 : i32 to vector<16xi32>
      %add3A_499 = arith.addi %add3A_498, %iota3A : vector<16xi32>
      %gather3A_500 = tpu.vector_load_idx %arg12[%add3A_499, %broadcast_in_dim3A_471] : memref<64x128xf32, #tpu.memory_space<vmem>>[vector<16xi32>, vector<16xi32>], vector<16xf32>,
      %swap3A_501 = arith.index_cast %add3A_475 : i32 to index
      %swap3A_502 = arith.constant 48 : index
      %swap3A_503 = tpu.vector_load %arg6[%swap3A_501, %swap3A_502] {strides = array<i32>} : memref<512x64xf32, #tpu.memory_space<vmem>>, vector<16xf32>,
      tpu.vector_store %arg6[%swap3A_501, %swap3A_502], %gather3A_500 {strides = array<i32>} : memref<512x64xf32, #tpu.memory_space<vmem>>, vector<16xf32>,
      %shift_right_arithmetic3A_504 = arith.constant 7 : i32
      %shift_right_arithmetic3A_505 = arith.shrsi %reduce_sum3A_139, %shift_right_arithmetic3A_504 : i32
      %shift_left3A_506 = arith.constant 7 : i32
      %shift_left3A_507 = arith.shli %shift_right_arithmetic3A_505, %shift_left3A_506 : i32
      %multiple_of3A_508 = tpu.assume_multiple %shift_left3A_507, 128 : i32
      %dma_start3A_509 = arith.constant 0 : i32
      %dma_start3A_510 = tpu.memref_slice %arg2[%dma_start3A_509, %multiple_of3A_508] : memref<64x1000000xf32, #tpu.memory_space<hbm>> -> memref<64x128xf32, #tpu.memory_space<hbm>>
      %dma_start3A_511 = arith.constant 0 : i32
      %dma_start3A_512 = tpu.memref_slice %arg2[%dma_start3A_511, %multiple_of3A_508] : memref<64x1000000xf32, #tpu.memory_space<hbm>> -> memref<64x128xf32, #tpu.memory_space<hbm>>
      tpu.enqueue_dma source(%dma_start3A_512 : memref<64x128xf32, #tpu.memory_space<hbm>>) target(%arg12 : memref<64x128xf32, #tpu.memory_space<vmem>>) target_semaphore(%arg19 : memref<!tpu.dma_semaphore, #tpu.memory_space<semaphore_mem>>)
      %dma_wait3A_513 = arith.constant 0 : i32
      %dma_wait3A_514 = tpu.memref_slice %arg2[%dma_wait3A_513, %multiple_of3A_224] : memref<64x1000000xf32, #tpu.memory_space<hbm>> -> memref<64x128xf32, #tpu.memory_space<hbm>>
      %dma_wait3A_515 = arith.constant 0 : i32
      %dma_wait3A_516 = tpu.memref_slice %arg2[%dma_wait3A_515, %multiple_of3A_224] : memref<64x1000000xf32, #tpu.memory_space<hbm>> -> memref<64x128xf32, #tpu.memory_space<hbm>>
      tpu.wait_dma2 semaphore(%arg20 : memref<!tpu.dma_semaphore, #tpu.memory_space<semaphore_mem>>) src(%dma_wait3A_516 : memref<64x128xf32, #tpu.memory_space<hbm>>) dst(%arg13 : memref<64x128xf32, #tpu.memory_space<vmem>>)
      %and3A_517 = arith.constant 127 : i32
      %and3A_518 = arith.andi %reduce_sum3A_79, %and3A_517 : i32
      %broadcast_in_dim3A_519 = vector.broadcast %and3A_518 : i32 to vector<16xi32>
      %mul3A_520 = arith.constant 16 : i32
      %mul3A_521 = arith.muli %add3A_11, %mul3A_520 : i32
      %add3A_522 = arith.constant 6 : i32
      %add3A_523 = arith.addi %mul3A_521, %add3A_522 : i32
      %add3A_524 = arith.constant 0 : i32
      %add3A_525 = vector.broadcast %add3A_524 : i32 to vector<16xi32>
      %add3A_526 = arith.addi %add3A_525, %iota3A : vector<16xi32>
      %gather3A_527 = tpu.vector_load_idx %arg13[%add3A_526, %broadcast_in_dim3A_519] : memref<64x128xf32, #tpu.memory_space<vmem>>[vector<16xi32>, vector<16xi32>], vector<16xf32>,
      %swap3A_528 = arith.index_cast %add3A_523 : i32 to index
      %swap3A_529 = arith.constant 0 : index
      %swap3A_530 = tpu.vector_load %arg6[%swap3A_528, %swap3A_529] {strides = array<i32>} : memref<512x64xf32, #tpu.memory_space<vmem>>, vector<16xf32>,
      tpu.vector_store %arg6[%swap3A_528, %swap3A_529], %gather3A_527 {strides = array<i32>} : memref<512x64xf32, #tpu.memory_space<vmem>>, vector<16xf32>,
      %add3A_531 = arith.constant 16 : i32
      %add3A_532 = vector.broadcast %add3A_531 : i32 to vector<16xi32>
      %add3A_533 = arith.addi %add3A_532, %iota3A : vector<16xi32>
      %gather3A_534 = tpu.vector_load_idx %arg13[%add3A_533, %broadcast_in_dim3A_519] : memref<64x128xf32, #tpu.memory_space<vmem>>[vector<16xi32>, vector<16xi32>], vector<16xf32>,
      %swap3A_535 = arith.index_cast %add3A_523 : i32 to index
      %swap3A_536 = arith.constant 16 : index
      %swap3A_537 = tpu.vector_load %arg6[%swap3A_535, %swap3A_536] {strides = array<i32>} : memref<512x64xf32, #tpu.memory_space<vmem>>, vector<16xf32>,
      tpu.vector_store %arg6[%swap3A_535, %swap3A_536], %gather3A_534 {strides = array<i32>} : memref<512x64xf32, #tpu.memory_space<vmem>>, vector<16xf32>,
      %add3A_538 = arith.constant 32 : i32
      %add3A_539 = vector.broadcast %add3A_538 : i32 to vector<16xi32>
      %add3A_540 = arith.addi %add3A_539, %iota3A : vector<16xi32>
      %gather3A_541 = tpu.vector_load_idx %arg13[%add3A_540, %broadcast_in_dim3A_519] : memref<64x128xf32, #tpu.memory_space<vmem>>[vector<16xi32>, vector<16xi32>], vector<16xf32>,
      %swap3A_542 = arith.index_cast %add3A_523 : i32 to index
      %swap3A_543 = arith.constant 32 : index
      %swap3A_544 = tpu.vector_load %arg6[%swap3A_542, %swap3A_543] {strides = array<i32>} : memref<512x64xf32, #tpu.memory_space<vmem>>, vector<16xf32>,
      tpu.vector_store %arg6[%swap3A_542, %swap3A_543], %gather3A_541 {strides = array<i32>} : memref<512x64xf32, #tpu.memory_space<vmem>>, vector<16xf32>,
      %add3A_545 = arith.constant 48 : i32
      %add3A_546 = vector.broadcast %add3A_545 : i32 to vector<16xi32>
      %add3A_547 = arith.addi %add3A_546, %iota3A : vector<16xi32>
      %gather3A_548 = tpu.vector_load_idx %arg13[%add3A_547, %broadcast_in_dim3A_519] : memref<64x128xf32, #tpu.memory_space<vmem>>[vector<16xi32>, vector<16xi32>], vector<16xf32>,
      %swap3A_549 = arith.index_cast %add3A_523 : i32 to index
      %swap3A_550 = arith.constant 48 : index
      %swap3A_551 = tpu.vector_load %arg6[%swap3A_549, %swap3A_550] {strides = array<i32>} : memref<512x64xf32, #tpu.memory_space<vmem>>, vector<16xf32>,
      tpu.vector_store %arg6[%swap3A_549, %swap3A_550], %gather3A_548 {strides = array<i32>} : memref<512x64xf32, #tpu.memory_space<vmem>>, vector<16xf32>,
      %shift_right_arithmetic3A_552 = arith.constant 7 : i32
      %shift_right_arithmetic3A_553 = arith.shrsi %reduce_sum3A_149, %shift_right_arithmetic3A_552 : i32
      %shift_left3A_554 = arith.constant 7 : i32
      %shift_left3A_555 = arith.shli %shift_right_arithmetic3A_553, %shift_left3A_554 : i32
      %multiple_of3A_556 = tpu.assume_multiple %shift_left3A_555, 128 : i32
      %dma_start3A_557 = arith.constant 0 : i32
      %dma_start3A_558 = tpu.memref_slice %arg2[%dma_start3A_557, %multiple_of3A_556] : memref<64x1000000xf32, #tpu.memory_space<hbm>> -> memref<64x128xf32, #tpu.memory_space<hbm>>
      %dma_start3A_559 = arith.constant 0 : i32
      %dma_start3A_560 = tpu.memref_slice %arg2[%dma_start3A_559, %multiple_of3A_556] : memref<64x1000000xf32, #tpu.memory_space<hbm>> -> memref<64x128xf32, #tpu.memory_space<hbm>>
      tpu.enqueue_dma source(%dma_start3A_560 : memref<64x128xf32, #tpu.memory_space<hbm>>) target(%arg13 : memref<64x128xf32, #tpu.memory_space<vmem>>) target_semaphore(%arg20 : memref<!tpu.dma_semaphore, #tpu.memory_space<semaphore_mem>>)
      %dma_wait3A_561 = arith.constant 0 : i32
      %dma_wait3A_562 = tpu.memref_slice %arg2[%dma_wait3A_561, %multiple_of3A_268] : memref<64x1000000xf32, #tpu.memory_space<hbm>> -> memref<64x128xf32, #tpu.memory_space<hbm>>
      %dma_wait3A_563 = arith.constant 0 : i32
      %dma_wait3A_564 = tpu.memref_slice %arg2[%dma_wait3A_563, %multiple_of3A_268] : memref<64x1000000xf32, #tpu.memory_space<hbm>> -> memref<64x128xf32, #tpu.memory_space<hbm>>
      tpu.wait_dma2 semaphore(%arg14 : memref<!tpu.dma_semaphore, #tpu.memory_space<semaphore_mem>>) src(%dma_wait3A_564 : memref<64x128xf32, #tpu.memory_space<hbm>>) dst(%arg7 : memref<64x128xf32, #tpu.memory_space<vmem>>)
      %and3A_565 = arith.constant 127 : i32
      %and3A_566 = arith.andi %reduce_sum3A_89, %and3A_565 : i32
      %broadcast_in_dim3A_567 = vector.broadcast %and3A_566 : i32 to vector<16xi32>
      %mul3A_568 = arith.constant 16 : i32
      %mul3A_569 = arith.muli %add3A_11, %mul3A_568 : i32
      %add3A_570 = arith.constant 7 : i32
      %add3A_571 = arith.addi %mul3A_569, %add3A_570 : i32
      %add3A_572 = arith.constant 0 : i32
      %add3A_573 = vector.broadcast %add3A_572 : i32 to vector<16xi32>
      %add3A_574 = arith.addi %add3A_573, %iota3A : vector<16xi32>
      %gather3A_575 = tpu.vector_load_idx %arg7[%add3A_574, %broadcast_in_dim3A_567] : memref<64x128xf32, #tpu.memory_space<vmem>>[vector<16xi32>, vector<16xi32>], vector<16xf32>,
      %swap3A_576 = arith.index_cast %add3A_571 : i32 to index
      %swap3A_577 = arith.constant 0 : index
      %swap3A_578 = tpu.vector_load %arg6[%swap3A_576, %swap3A_577] {strides = array<i32>} : memref<512x64xf32, #tpu.memory_space<vmem>>, vector<16xf32>,
      tpu.vector_store %arg6[%swap3A_576, %swap3A_577], %gather3A_575 {strides = array<i32>} : memref<512x64xf32, #tpu.memory_space<vmem>>, vector<16xf32>,
      %add3A_579 = arith.constant 16 : i32
      %add3A_580 = vector.broadcast %add3A_579 : i32 to vector<16xi32>
      %add3A_581 = arith.addi %add3A_580, %iota3A : vector<16xi32>
      %gather3A_582 = tpu.vector_load_idx %arg7[%add3A_581, %broadcast_in_dim3A_567] : memref<64x128xf32, #tpu.memory_space<vmem>>[vector<16xi32>, vector<16xi32>], vector<16xf32>,
      %swap3A_583 = arith.index_cast %add3A_571 : i32 to index
      %swap3A_584 = arith.constant 16 : index
      %swap3A_585 = tpu.vector_load %arg6[%swap3A_583, %swap3A_584] {strides = array<i32>} : memref<512x64xf32, #tpu.memory_space<vmem>>, vector<16xf32>,
      tpu.vector_store %arg6[%swap3A_583, %swap3A_584], %gather3A_582 {strides = array<i32>} : memref<512x64xf32, #tpu.memory_space<vmem>>, vector<16xf32>,
      %add3A_586 = arith.constant 32 : i32
      %add3A_587 = vector.broadcast %add3A_586 : i32 to vector<16xi32>
      %add3A_588 = arith.addi %add3A_587, %iota3A : vector<16xi32>
      %gather3A_589 = tpu.vector_load_idx %arg7[%add3A_588, %broadcast_in_dim3A_567] : memref<64x128xf32, #tpu.memory_space<vmem>>[vector<16xi32>, vector<16xi32>], vector<16xf32>,
      %swap3A_590 = arith.index_cast %add3A_571 : i32 to index
      %swap3A_591 = arith.constant 32 : index
      %swap3A_592 = tpu.vector_load %arg6[%swap3A_590, %swap3A_591] {strides = array<i32>} : memref<512x64xf32, #tpu.memory_space<vmem>>, vector<16xf32>,
      tpu.vector_store %arg6[%swap3A_590, %swap3A_591], %gather3A_589 {strides = array<i32>} : memref<512x64xf32, #tpu.memory_space<vmem>>, vector<16xf32>,
      %add3A_593 = arith.constant 48 : i32
      %add3A_594 = vector.broadcast %add3A_593 : i32 to vector<16xi32>
      %add3A_595 = arith.addi %add3A_594, %iota3A : vector<16xi32>
      %gather3A_596 = tpu.vector_load_idx %arg7[%add3A_595, %broadcast_in_dim3A_567] : memref<64x128xf32, #tpu.memory_space<vmem>>[vector<16xi32>, vector<16xi32>], vector<16xf32>,
      %swap3A_597 = arith.index_cast %add3A_571 : i32 to index
      %swap3A_598 = arith.constant 48 : index
      %swap3A_599 = tpu.vector_load %arg6[%swap3A_597, %swap3A_598] {strides = array<i32>} : memref<512x64xf32, #tpu.memory_space<vmem>>, vector<16xf32>,
      tpu.vector_store %arg6[%swap3A_597, %swap3A_598], %gather3A_596 {strides = array<i32>} : memref<512x64xf32, #tpu.memory_space<vmem>>, vector<16xf32>,
      %shift_right_arithmetic3A_600 = arith.constant 7 : i32
      %shift_right_arithmetic3A_601 = arith.shrsi %reduce_sum3A_159, %shift_right_arithmetic3A_600 : i32
      %shift_left3A_602 = arith.constant 7 : i32
      %shift_left3A_603 = arith.shli %shift_right_arithmetic3A_601, %shift_left3A_602 : i32
      %multiple_of3A_604 = tpu.assume_multiple %shift_left3A_603, 128 : i32
      %dma_start3A_605 = arith.constant 0 : i32
      %dma_start3A_606 = tpu.memref_slice %arg2[%dma_start3A_605, %multiple_of3A_604] : memref<64x1000000xf32, #tpu.memory_space<hbm>> -> memref<64x128xf32, #tpu.memory_space<hbm>>
      %dma_start3A_607 = arith.constant 0 : i32
      %dma_start3A_608 = tpu.memref_slice %arg2[%dma_start3A_607, %multiple_of3A_604] : memref<64x1000000xf32, #tpu.memory_space<hbm>> -> memref<64x128xf32, #tpu.memory_space<hbm>>
      tpu.enqueue_dma source(%dma_start3A_608 : memref<64x128xf32, #tpu.memory_space<hbm>>) target(%arg7 : memref<64x128xf32, #tpu.memory_space<vmem>>) target_semaphore(%arg14 : memref<!tpu.dma_semaphore, #tpu.memory_space<semaphore_mem>>)
      %dma_wait3A_609 = arith.constant 0 : i32
      %dma_wait3A_610 = tpu.memref_slice %arg2[%dma_wait3A_609, %multiple_of3A_316] : memref<64x1000000xf32, #tpu.memory_space<hbm>> -> memref<64x128xf32, #tpu.memory_space<hbm>>
      %dma_wait3A_611 = arith.constant 0 : i32
      %dma_wait3A_612 = tpu.memref_slice %arg2[%dma_wait3A_611, %multiple_of3A_316] : memref<64x1000000xf32, #tpu.memory_space<hbm>> -> memref<64x128xf32, #tpu.memory_space<hbm>>
      tpu.wait_dma2 semaphore(%arg15 : memref<!tpu.dma_semaphore, #tpu.memory_space<semaphore_mem>>) src(%dma_wait3A_612 : memref<64x128xf32, #tpu.memory_space<hbm>>) dst(%arg8 : memref<64x128xf32, #tpu.memory_space<vmem>>)
      %and3A_613 = arith.constant 127 : i32
      %and3A_614 = arith.andi %reduce_sum3A_99, %and3A_613 : i32
      %broadcast_in_dim3A_615 = vector.broadcast %and3A_614 : i32 to vector<16xi32>
      %mul3A_616 = arith.constant 16 : i32
      %mul3A_617 = arith.muli %add3A_11, %mul3A_616 : i32
      %add3A_618 = arith.constant 8 : i32
      %add3A_619 = arith.addi %mul3A_617, %add3A_618 : i32
      %add3A_620 = arith.constant 0 : i32
      %add3A_621 = vector.broadcast %add3A_620 : i32 to vector<16xi32>
      %add3A_622 = arith.addi %add3A_621, %iota3A : vector<16xi32>
      %gather3A_623 = tpu.vector_load_idx %arg8[%add3A_622, %broadcast_in_dim3A_615] : memref<64x128xf32, #tpu.memory_space<vmem>>[vector<16xi32>, vector<16xi32>], vector<16xf32>,
      %swap3A_624 = arith.index_cast %add3A_619 : i32 to index
      %swap3A_625 = arith.constant 0 : index
      %swap3A_626 = tpu.vector_load %arg6[%swap3A_624, %swap3A_625] {strides = array<i32>} : memref<512x64xf32, #tpu.memory_space<vmem>>, vector<16xf32>,
      tpu.vector_store %arg6[%swap3A_624, %swap3A_625], %gather3A_623 {strides = array<i32>} : memref<512x64xf32, #tpu.memory_space<vmem>>, vector<16xf32>,
      %add3A_627 = arith.constant 16 : i32
      %add3A_628 = vector.broadcast %add3A_627 : i32 to vector<16xi32>
      %add3A_629 = arith.addi %add3A_628, %iota3A : vector<16xi32>
      %gather3A_630 = tpu.vector_load_idx %arg8[%add3A_629, %broadcast_in_dim3A_615] : memref<64x128xf32, #tpu.memory_space<vmem>>[vector<16xi32>, vector<16xi32>], vector<16xf32>,
      %swap3A_631 = arith.index_cast %add3A_619 : i32 to index
      %swap3A_632 = arith.constant 16 : index
      %swap3A_633 = tpu.vector_load %arg6[%swap3A_631, %swap3A_632] {strides = array<i32>} : memref<512x64xf32, #tpu.memory_space<vmem>>, vector<16xf32>,
      tpu.vector_store %arg6[%swap3A_631, %swap3A_632], %gather3A_630 {strides = array<i32>} : memref<512x64xf32, #tpu.memory_space<vmem>>, vector<16xf32>,
      %add3A_634 = arith.constant 32 : i32
      %add3A_635 = vector.broadcast %add3A_634 : i32 to vector<16xi32>
      %add3A_636 = arith.addi %add3A_635, %iota3A : vector<16xi32>
      %gather3A_637 = tpu.vector_load_idx %arg8[%add3A_636, %broadcast_in_dim3A_615] : memref<64x128xf32, #tpu.memory_space<vmem>>[vector<16xi32>, vector<16xi32>], vector<16xf32>,
      %swap3A_638 = arith.index_cast %add3A_619 : i32 to index
      %swap3A_639 = arith.constant 32 : index
      %swap3A_640 = tpu.vector_load %arg6[%swap3A_638, %swap3A_639] {strides = array<i32>} : memref<512x64xf32, #tpu.memory_space<vmem>>, vector<16xf32>,
      tpu.vector_store %arg6[%swap3A_638, %swap3A_639], %gather3A_637 {strides = array<i32>} : memref<512x64xf32, #tpu.memory_space<vmem>>, vector<16xf32>,
      %add3A_641 = arith.constant 48 : i32
      %add3A_642 = vector.broadcast %add3A_641 : i32 to vector<16xi32>
      %add3A_643 = arith.addi %add3A_642, %iota3A : vector<16xi32>
      %gather3A_644 = tpu.vector_load_idx %arg8[%add3A_643, %broadcast_in_dim3A_615] : memref<64x128xf32, #tpu.memory_space<vmem>>[vector<16xi32>, vector<16xi32>], vector<16xf32>,
      %swap3A_645 = arith.index_cast %add3A_619 : i32 to index
      %swap3A_646 = arith.constant 48 : index
      %swap3A_647 = tpu.vector_load %arg6[%swap3A_645, %swap3A_646] {strides = array<i32>} : memref<512x64xf32, #tpu.memory_space<vmem>>, vector<16xf32>,
      tpu.vector_store %arg6[%swap3A_645, %swap3A_646], %gather3A_644 {strides = array<i32>} : memref<512x64xf32, #tpu.memory_space<vmem>>, vector<16xf32>,
      %shift_right_arithmetic3A_648 = arith.constant 7 : i32
      %shift_right_arithmetic3A_649 = arith.shrsi %reduce_sum3A_169, %shift_right_arithmetic3A_648 : i32
      %shift_left3A_650 = arith.constant 7 : i32
      %shift_left3A_651 = arith.shli %shift_right_arithmetic3A_649, %shift_left3A_650 : i32
      %multiple_of3A_652 = tpu.assume_multiple %shift_left3A_651, 128 : i32
      %dma_start3A_653 = arith.constant 0 : i32
      %dma_start3A_654 = tpu.memref_slice %arg2[%dma_start3A_653, %multiple_of3A_652] : memref<64x1000000xf32, #tpu.memory_space<hbm>> -> memref<64x128xf32, #tpu.memory_space<hbm>>
      %dma_start3A_655 = arith.constant 0 : i32
      %dma_start3A_656 = tpu.memref_slice %arg2[%dma_start3A_655, %multiple_of3A_652] : memref<64x1000000xf32, #tpu.memory_space<hbm>> -> memref<64x128xf32, #tpu.memory_space<hbm>>
      tpu.enqueue_dma source(%dma_start3A_656 : memref<64x128xf32, #tpu.memory_space<hbm>>) target(%arg8 : memref<64x128xf32, #tpu.memory_space<vmem>>) target_semaphore(%arg15 : memref<!tpu.dma_semaphore, #tpu.memory_space<semaphore_mem>>)
      %dma_wait3A_657 = arith.constant 0 : i32
      %dma_wait3A_658 = tpu.memref_slice %arg2[%dma_wait3A_657, %multiple_of3A_364] : memref<64x1000000xf32, #tpu.memory_space<hbm>> -> memref<64x128xf32, #tpu.memory_space<hbm>>
      %dma_wait3A_659 = arith.constant 0 : i32
      %dma_wait3A_660 = tpu.memref_slice %arg2[%dma_wait3A_659, %multiple_of3A_364] : memref<64x1000000xf32, #tpu.memory_space<hbm>> -> memref<64x128xf32, #tpu.memory_space<hbm>>
      tpu.wait_dma2 semaphore(%arg16 : memref<!tpu.dma_semaphore, #tpu.memory_space<semaphore_mem>>) src(%dma_wait3A_660 : memref<64x128xf32, #tpu.memory_space<hbm>>) dst(%arg9 : memref<64x128xf32, #tpu.memory_space<vmem>>)
      %and3A_661 = arith.constant 127 : i32
      %and3A_662 = arith.andi %reduce_sum3A_109, %and3A_661 : i32
      %broadcast_in_dim3A_663 = vector.broadcast %and3A_662 : i32 to vector<16xi32>
      %mul3A_664 = arith.constant 16 : i32
      %mul3A_665 = arith.muli %add3A_11, %mul3A_664 : i32
      %add3A_666 = arith.constant 9 : i32
      %add3A_667 = arith.addi %mul3A_665, %add3A_666 : i32
      %add3A_668 = arith.constant 0 : i32
      %add3A_669 = vector.broadcast %add3A_668 : i32 to vector<16xi32>
      %add3A_670 = arith.addi %add3A_669, %iota3A : vector<16xi32>
      %gather3A_671 = tpu.vector_load_idx %arg9[%add3A_670, %broadcast_in_dim3A_663] : memref<64x128xf32, #tpu.memory_space<vmem>>[vector<16xi32>, vector<16xi32>], vector<16xf32>,
      %swap3A_672 = arith.index_cast %add3A_667 : i32 to index
      %swap3A_673 = arith.constant 0 : index
      %swap3A_674 = tpu.vector_load %arg6[%swap3A_672, %swap3A_673] {strides = array<i32>} : memref<512x64xf32, #tpu.memory_space<vmem>>, vector<16xf32>,
      tpu.vector_store %arg6[%swap3A_672, %swap3A_673], %gather3A_671 {strides = array<i32>} : memref<512x64xf32, #tpu.memory_space<vmem>>, vector<16xf32>,
      %add3A_675 = arith.constant 16 : i32
      %add3A_676 = vector.broadcast %add3A_675 : i32 to vector<16xi32>
      %add3A_677 = arith.addi %add3A_676, %iota3A : vector<16xi32>
      %gather3A_678 = tpu.vector_load_idx %arg9[%add3A_677, %broadcast_in_dim3A_663] : memref<64x128xf32, #tpu.memory_space<vmem>>[vector<16xi32>, vector<16xi32>], vector<16xf32>,
      %swap3A_679 = arith.index_cast %add3A_667 : i32 to index
      %swap3A_680 = arith.constant 16 : index
      %swap3A_681 = tpu.vector_load %arg6[%swap3A_679, %swap3A_680] {strides = array<i32>} : memref<512x64xf32, #tpu.memory_space<vmem>>, vector<16xf32>,
      tpu.vector_store %arg6[%swap3A_679, %swap3A_680], %gather3A_678 {strides = array<i32>} : memref<512x64xf32, #tpu.memory_space<vmem>>, vector<16xf32>,
      %add3A_682 = arith.constant 32 : i32
      %add3A_683 = vector.broadcast %add3A_682 : i32 to vector<16xi32>
      %add3A_684 = arith.addi %add3A_683, %iota3A : vector<16xi32>
      %gather3A_685 = tpu.vector_load_idx %arg9[%add3A_684, %broadcast_in_dim3A_663] : memref<64x128xf32, #tpu.memory_space<vmem>>[vector<16xi32>, vector<16xi32>], vector<16xf32>,
      %swap3A_686 = arith.index_cast %add3A_667 : i32 to index
      %swap3A_687 = arith.constant 32 : index
      %swap3A_688 = tpu.vector_load %arg6[%swap3A_686, %swap3A_687] {strides = array<i32>} : memref<512x64xf32, #tpu.memory_space<vmem>>, vector<16xf32>,
      tpu.vector_store %arg6[%swap3A_686, %swap3A_687], %gather3A_685 {strides = array<i32>} : memref<512x64xf32, #tpu.memory_space<vmem>>, vector<16xf32>,
      %add3A_689 = arith.constant 48 : i32
      %add3A_690 = vector.broadcast %add3A_689 : i32 to vector<16xi32>
      %add3A_691 = arith.addi %add3A_690, %iota3A : vector<16xi32>
      %gather3A_692 = tpu.vector_load_idx %arg9[%add3A_691, %broadcast_in_dim3A_663] : memref<64x128xf32, #tpu.memory_space<vmem>>[vector<16xi32>, vector<16xi32>], vector<16xf32>,
      %swap3A_693 = arith.index_cast %add3A_667 : i32 to index
      %swap3A_694 = arith.constant 48 : index
      %swap3A_695 = tpu.vector_load %arg6[%swap3A_693, %swap3A_694] {strides = array<i32>} : memref<512x64xf32, #tpu.memory_space<vmem>>, vector<16xf32>,
      tpu.vector_store %arg6[%swap3A_693, %swap3A_694], %gather3A_692 {strides = array<i32>} : memref<512x64xf32, #tpu.memory_space<vmem>>, vector<16xf32>,
      %dma_wait3A_696 = arith.constant 0 : i32
      %dma_wait3A_697 = tpu.memref_slice %arg2[%dma_wait3A_696, %multiple_of3A_412] : memref<64x1000000xf32, #tpu.memory_space<hbm>> -> memref<64x128xf32, #tpu.memory_space<hbm>>
      %dma_wait3A_698 = arith.constant 0 : i32
      %dma_wait3A_699 = tpu.memref_slice %arg2[%dma_wait3A_698, %multiple_of3A_412] : memref<64x1000000xf32, #tpu.memory_space<hbm>> -> memref<64x128xf32, #tpu.memory_space<hbm>>
      tpu.wait_dma2 semaphore(%arg17 : memref<!tpu.dma_semaphore, #tpu.memory_space<semaphore_mem>>) src(%dma_wait3A_699 : memref<64x128xf32, #tpu.memory_space<hbm>>) dst(%arg10 : memref<64x128xf32, #tpu.memory_space<vmem>>)
      %and3A_700 = arith.constant 127 : i32
      %and3A_701 = arith.andi %reduce_sum3A_119, %and3A_700 : i32
      %broadcast_in_dim3A_702 = vector.broadcast %and3A_701 : i32 to vector<16xi32>
      %mul3A_703 = arith.constant 16 : i32
      %mul3A_704 = arith.muli %add3A_11, %mul3A_703 : i32
      %add3A_705 = arith.constant 10 : i32
      %add3A_706 = arith.addi %mul3A_704, %add3A_705 : i32
      %add3A_707 = arith.constant 0 : i32
      %add3A_708 = vector.broadcast %add3A_707 : i32 to vector<16xi32>
      %add3A_709 = arith.addi %add3A_708, %iota3A : vector<16xi32>
      %gather3A_710 = tpu.vector_load_idx %arg10[%add3A_709, %broadcast_in_dim3A_702] : memref<64x128xf32, #tpu.memory_space<vmem>>[vector<16xi32>, vector<16xi32>], vector<16xf32>,
      %swap3A_711 = arith.index_cast %add3A_706 : i32 to index
      %swap3A_712 = arith.constant 0 : index
      %swap3A_713 = tpu.vector_load %arg6[%swap3A_711, %swap3A_712] {strides = array<i32>} : memref<512x64xf32, #tpu.memory_space<vmem>>, vector<16xf32>,
      tpu.vector_store %arg6[%swap3A_711, %swap3A_712], %gather3A_710 {strides = array<i32>} : memref<512x64xf32, #tpu.memory_space<vmem>>, vector<16xf32>,
      %add3A_714 = arith.constant 16 : i32
      %add3A_715 = vector.broadcast %add3A_714 : i32 to vector<16xi32>
      %add3A_716 = arith.addi %add3A_715, %iota3A : vector<16xi32>
      %gather3A_717 = tpu.vector_load_idx %arg10[%add3A_716, %broadcast_in_dim3A_702] : memref<64x128xf32, #tpu.memory_space<vmem>>[vector<16xi32>, vector<16xi32>], vector<16xf32>,
      %swap3A_718 = arith.index_cast %add3A_706 : i32 to index
      %swap3A_719 = arith.constant 16 : index
      %swap3A_720 = tpu.vector_load %arg6[%swap3A_718, %swap3A_719] {strides = array<i32>} : memref<512x64xf32, #tpu.memory_space<vmem>>, vector<16xf32>,
      tpu.vector_store %arg6[%swap3A_718, %swap3A_719], %gather3A_717 {strides = array<i32>} : memref<512x64xf32, #tpu.memory_space<vmem>>, vector<16xf32>,
      %add3A_721 = arith.constant 32 : i32
      %add3A_722 = vector.broadcast %add3A_721 : i32 to vector<16xi32>
      %add3A_723 = arith.addi %add3A_722, %iota3A : vector<16xi32>
      %gather3A_724 = tpu.vector_load_idx %arg10[%add3A_723, %broadcast_in_dim3A_702] : memref<64x128xf32, #tpu.memory_space<vmem>>[vector<16xi32>, vector<16xi32>], vector<16xf32>,
      %swap3A_725 = arith.index_cast %add3A_706 : i32 to index
      %swap3A_726 = arith.constant 32 : index
      %swap3A_727 = tpu.vector_load %arg6[%swap3A_725, %swap3A_726] {strides = array<i32>} : memref<512x64xf32, #tpu.memory_space<vmem>>, vector<16xf32>,
      tpu.vector_store %arg6[%swap3A_725, %swap3A_726], %gather3A_724 {strides = array<i32>} : memref<512x64xf32, #tpu.memory_space<vmem>>, vector<16xf32>,
      %add3A_728 = arith.constant 48 : i32
      %add3A_729 = vector.broadcast %add3A_728 : i32 to vector<16xi32>
      %add3A_730 = arith.addi %add3A_729, %iota3A : vector<16xi32>
      %gather3A_731 = tpu.vector_load_idx %arg10[%add3A_730, %broadcast_in_dim3A_702] : memref<64x128xf32, #tpu.memory_space<vmem>>[vector<16xi32>, vector<16xi32>], vector<16xf32>,
      %swap3A_732 = arith.index_cast %add3A_706 : i32 to index
      %swap3A_733 = arith.constant 48 : index
      %swap3A_734 = tpu.vector_load %arg6[%swap3A_732, %swap3A_733] {strides = array<i32>} : memref<512x64xf32, #tpu.memory_space<vmem>>, vector<16xf32>,
      tpu.vector_store %arg6[%swap3A_732, %swap3A_733], %gather3A_731 {strides = array<i32>} : memref<512x64xf32, #tpu.memory_space<vmem>>, vector<16xf32>,
      %dma_wait3A_735 = arith.constant 0 : i32
      %dma_wait3A_736 = tpu.memref_slice %arg2[%dma_wait3A_735, %multiple_of3A_460] : memref<64x1000000xf32, #tpu.memory_space<hbm>> -> memref<64x128xf32, #tpu.memory_space<hbm>>
      %dma_wait3A_737 = arith.constant 0 : i32
      %dma_wait3A_738 = tpu.memref_slice %arg2[%dma_wait3A_737, %multiple_of3A_460] : memref<64x1000000xf32, #tpu.memory_space<hbm>> -> memref<64x128xf32, #tpu.memory_space<hbm>>
      tpu.wait_dma2 semaphore(%arg18 : memref<!tpu.dma_semaphore, #tpu.memory_space<semaphore_mem>>) src(%dma_wait3A_738 : memref<64x128xf32, #tpu.memory_space<hbm>>) dst(%arg11 : memref<64x128xf32, #tpu.memory_space<vmem>>)
      %and3A_739 = arith.constant 127 : i32
      %and3A_740 = arith.andi %reduce_sum3A_129, %and3A_739 : i32
      %broadcast_in_dim3A_741 = vector.broadcast %and3A_740 : i32 to vector<16xi32>
      %mul3A_742 = arith.constant 16 : i32
      %mul3A_743 = arith.muli %add3A_11, %mul3A_742 : i32
      %add3A_744 = arith.constant 11 : i32
      %add3A_745 = arith.addi %mul3A_743, %add3A_744 : i32
      %add3A_746 = arith.constant 0 : i32
      %add3A_747 = vector.broadcast %add3A_746 : i32 to vector<16xi32>
      %add3A_748 = arith.addi %add3A_747, %iota3A : vector<16xi32>
      %gather3A_749 = tpu.vector_load_idx %arg11[%add3A_748, %broadcast_in_dim3A_741] : memref<64x128xf32, #tpu.memory_space<vmem>>[vector<16xi32>, vector<16xi32>], vector<16xf32>,
      %swap3A_750 = arith.index_cast %add3A_745 : i32 to index
      %swap3A_751 = arith.constant 0 : index
      %swap3A_752 = tpu.vector_load %arg6[%swap3A_750, %swap3A_751] {strides = array<i32>} : memref<512x64xf32, #tpu.memory_space<vmem>>, vector<16xf32>,
      tpu.vector_store %arg6[%swap3A_750, %swap3A_751], %gather3A_749 {strides = array<i32>} : memref<512x64xf32, #tpu.memory_space<vmem>>, vector<16xf32>,
      %add3A_753 = arith.constant 16 : i32
      %add3A_754 = vector.broadcast %add3A_753 : i32 to vector<16xi32>
      %add3A_755 = arith.addi %add3A_754, %iota3A : vector<16xi32>
      %gather3A_756 = tpu.vector_load_idx %arg11[%add3A_755, %broadcast_in_dim3A_741] : memref<64x128xf32, #tpu.memory_space<vmem>>[vector<16xi32>, vector<16xi32>], vector<16xf32>,
      %swap3A_757 = arith.index_cast %add3A_745 : i32 to index
      %swap3A_758 = arith.constant 16 : index
      %swap3A_759 = tpu.vector_load %arg6[%swap3A_757, %swap3A_758] {strides = array<i32>} : memref<512x64xf32, #tpu.memory_space<vmem>>, vector<16xf32>,
      tpu.vector_store %arg6[%swap3A_757, %swap3A_758], %gather3A_756 {strides = array<i32>} : memref<512x64xf32, #tpu.memory_space<vmem>>, vector<16xf32>,
      %add3A_760 = arith.constant 32 : i32
      %add3A_761 = vector.broadcast %add3A_760 : i32 to vector<16xi32>
      %add3A_762 = arith.addi %add3A_761, %iota3A : vector<16xi32>
      %gather3A_763 = tpu.vector_load_idx %arg11[%add3A_762, %broadcast_in_dim3A_741] : memref<64x128xf32, #tpu.memory_space<vmem>>[vector<16xi32>, vector<16xi32>], vector<16xf32>,
      %swap3A_764 = arith.index_cast %add3A_745 : i32 to index
      %swap3A_765 = arith.constant 32 : index
      %swap3A_766 = tpu.vector_load %arg6[%swap3A_764, %swap3A_765] {strides = array<i32>} : memref<512x64xf32, #tpu.memory_space<vmem>>, vector<16xf32>,
      tpu.vector_store %arg6[%swap3A_764, %swap3A_765], %gather3A_763 {strides = array<i32>} : memref<512x64xf32, #tpu.memory_space<vmem>>, vector<16xf32>,
      %add3A_767 = arith.constant 48 : i32
      %add3A_768 = vector.broadcast %add3A_767 : i32 to vector<16xi32>
      %add3A_769 = arith.addi %add3A_768, %iota3A : vector<16xi32>
      %gather3A_770 = tpu.vector_load_idx %arg11[%add3A_769, %broadcast_in_dim3A_741] : memref<64x128xf32, #tpu.memory_space<vmem>>[vector<16xi32>, vector<16xi32>], vector<16xf32>,
      %swap3A_771 = arith.index_cast %add3A_745 : i32 to index
      %swap3A_772 = arith.constant 48 : index
      %swap3A_773 = tpu.vector_load %arg6[%swap3A_771, %swap3A_772] {strides = array<i32>} : memref<512x64xf32, #tpu.memory_space<vmem>>, vector<16xf32>,
      tpu.vector_store %arg6[%swap3A_771, %swap3A_772], %gather3A_770 {strides = array<i32>} : memref<512x64xf32, #tpu.memory_space<vmem>>, vector<16xf32>,
      %dma_wait3A_774 = arith.constant 0 : i32
      %dma_wait3A_775 = tpu.memref_slice %arg2[%dma_wait3A_774, %multiple_of3A_508] : memref<64x1000000xf32, #tpu.memory_space<hbm>> -> memref<64x128xf32, #tpu.memory_space<hbm>>
      %dma_wait3A_776 = arith.constant 0 : i32
      %dma_wait3A_777 = tpu.memref_slice %arg2[%dma_wait3A_776, %multiple_of3A_508] : memref<64x1000000xf32, #tpu.memory_space<hbm>> -> memref<64x128xf32, #tpu.memory_space<hbm>>
      tpu.wait_dma2 semaphore(%arg19 : memref<!tpu.dma_semaphore, #tpu.memory_space<semaphore_mem>>) src(%dma_wait3A_777 : memref<64x128xf32, #tpu.memory_space<hbm>>) dst(%arg12 : memref<64x128xf32, #tpu.memory_space<vmem>>)
      %and3A_778 = arith.constant 127 : i32
      %and3A_779 = arith.andi %reduce_sum3A_139, %and3A_778 : i32
      %broadcast_in_dim3A_780 = vector.broadcast %and3A_779 : i32 to vector<16xi32>
      %mul3A_781 = arith.constant 16 : i32
      %mul3A_782 = arith.muli %add3A_11, %mul3A_781 : i32
      %add3A_783 = arith.constant 12 : i32
      %add3A_784 = arith.addi %mul3A_782, %add3A_783 : i32
      %add3A_785 = arith.constant 0 : i32
      %add3A_786 = vector.broadcast %add3A_785 : i32 to vector<16xi32>
      %add3A_787 = arith.addi %add3A_786, %iota3A : vector<16xi32>
      %gather3A_788 = tpu.vector_load_idx %arg12[%add3A_787, %broadcast_in_dim3A_780] : memref<64x128xf32, #tpu.memory_space<vmem>>[vector<16xi32>, vector<16xi32>], vector<16xf32>,
      %swap3A_789 = arith.index_cast %add3A_784 : i32 to index
      %swap3A_790 = arith.constant 0 : index
      %swap3A_791 = tpu.vector_load %arg6[%swap3A_789, %swap3A_790] {strides = array<i32>} : memref<512x64xf32, #tpu.memory_space<vmem>>, vector<16xf32>,
      tpu.vector_store %arg6[%swap3A_789, %swap3A_790], %gather3A_788 {strides = array<i32>} : memref<512x64xf32, #tpu.memory_space<vmem>>, vector<16xf32>,
      %add3A_792 = arith.constant 16 : i32
      %add3A_793 = vector.broadcast %add3A_792 : i32 to vector<16xi32>
      %add3A_794 = arith.addi %add3A_793, %iota3A : vector<16xi32>
      %gather3A_795 = tpu.vector_load_idx %arg12[%add3A_794, %broadcast_in_dim3A_780] : memref<64x128xf32, #tpu.memory_space<vmem>>[vector<16xi32>, vector<16xi32>], vector<16xf32>,
      %swap3A_796 = arith.index_cast %add3A_784 : i32 to index
      %swap3A_797 = arith.constant 16 : index
      %swap3A_798 = tpu.vector_load %arg6[%swap3A_796, %swap3A_797] {strides = array<i32>} : memref<512x64xf32, #tpu.memory_space<vmem>>, vector<16xf32>,
      tpu.vector_store %arg6[%swap3A_796, %swap3A_797], %gather3A_795 {strides = array<i32>} : memref<512x64xf32, #tpu.memory_space<vmem>>, vector<16xf32>,
      %add3A_799 = arith.constant 32 : i32
      %add3A_800 = vector.broadcast %add3A_799 : i32 to vector<16xi32>
      %add3A_801 = arith.addi %add3A_800, %iota3A : vector<16xi32>
      %gather3A_802 = tpu.vector_load_idx %arg12[%add3A_801, %broadcast_in_dim3A_780] : memref<64x128xf32, #tpu.memory_space<vmem>>[vector<16xi32>, vector<16xi32>], vector<16xf32>,
      %swap3A_803 = arith.index_cast %add3A_784 : i32 to index
      %swap3A_804 = arith.constant 32 : index
      %swap3A_805 = tpu.vector_load %arg6[%swap3A_803, %swap3A_804] {strides = array<i32>} : memref<512x64xf32, #tpu.memory_space<vmem>>, vector<16xf32>,
      tpu.vector_store %arg6[%swap3A_803, %swap3A_804], %gather3A_802 {strides = array<i32>} : memref<512x64xf32, #tpu.memory_space<vmem>>, vector<16xf32>,
      %add3A_806 = arith.constant 48 : i32
      %add3A_807 = vector.broadcast %add3A_806 : i32 to vector<16xi32>
      %add3A_808 = arith.addi %add3A_807, %iota3A : vector<16xi32>
      %gather3A_809 = tpu.vector_load_idx %arg12[%add3A_808, %broadcast_in_dim3A_780] : memref<64x128xf32, #tpu.memory_space<vmem>>[vector<16xi32>, vector<16xi32>], vector<16xf32>,
      %swap3A_810 = arith.index_cast %add3A_784 : i32 to index
      %swap3A_811 = arith.constant 48 : index
      %swap3A_812 = tpu.vector_load %arg6[%swap3A_810, %swap3A_811] {strides = array<i32>} : memref<512x64xf32, #tpu.memory_space<vmem>>, vector<16xf32>,
      tpu.vector_store %arg6[%swap3A_810, %swap3A_811], %gather3A_809 {strides = array<i32>} : memref<512x64xf32, #tpu.memory_space<vmem>>, vector<16xf32>,
      %dma_wait3A_813 = arith.constant 0 : i32
      %dma_wait3A_814 = tpu.memref_slice %arg2[%dma_wait3A_813, %multiple_of3A_556] : memref<64x1000000xf32, #tpu.memory_space<hbm>> -> memref<64x128xf32, #tpu.memory_space<hbm>>
      %dma_wait3A_815 = arith.constant 0 : i32
      %dma_wait3A_816 = tpu.memref_slice %arg2[%dma_wait3A_815, %multiple_of3A_556] : memref<64x1000000xf32, #tpu.memory_space<hbm>> -> memref<64x128xf32, #tpu.memory_space<hbm>>
      tpu.wait_dma2 semaphore(%arg20 : memref<!tpu.dma_semaphore, #tpu.memory_space<semaphore_mem>>) src(%dma_wait3A_816 : memref<64x128xf32, #tpu.memory_space<hbm>>) dst(%arg13 : memref<64x128xf32, #tpu.memory_space<vmem>>)
      %and3A_817 = arith.constant 127 : i32
      %and3A_818 = arith.andi %reduce_sum3A_149, %and3A_817 : i32
      %broadcast_in_dim3A_819 = vector.broadcast %and3A_818 : i32 to vector<16xi32>
      %mul3A_820 = arith.constant 16 : i32
      %mul3A_821 = arith.muli %add3A_11, %mul3A_820 : i32
      %add3A_822 = arith.constant 13 : i32
      %add3A_823 = arith.addi %mul3A_821, %add3A_822 : i32
      %add3A_824 = arith.constant 0 : i32
      %add3A_825 = vector.broadcast %add3A_824 : i32 to vector<16xi32>
      %add3A_826 = arith.addi %add3A_825, %iota3A : vector<16xi32>
      %gather3A_827 = tpu.vector_load_idx %arg13[%add3A_826, %broadcast_in_dim3A_819] : memref<64x128xf32, #tpu.memory_space<vmem>>[vector<16xi32>, vector<16xi32>], vector<16xf32>,
      %swap3A_828 = arith.index_cast %add3A_823 : i32 to index
      %swap3A_829 = arith.constant 0 : index
      %swap3A_830 = tpu.vector_load %arg6[%swap3A_828, %swap3A_829] {strides = array<i32>} : memref<512x64xf32, #tpu.memory_space<vmem>>, vector<16xf32>,
      tpu.vector_store %arg6[%swap3A_828, %swap3A_829], %gather3A_827 {strides = array<i32>} : memref<512x64xf32, #tpu.memory_space<vmem>>, vector<16xf32>,
      %add3A_831 = arith.constant 16 : i32
      %add3A_832 = vector.broadcast %add3A_831 : i32 to vector<16xi32>
      %add3A_833 = arith.addi %add3A_832, %iota3A : vector<16xi32>
      %gather3A_834 = tpu.vector_load_idx %arg13[%add3A_833, %broadcast_in_dim3A_819] : memref<64x128xf32, #tpu.memory_space<vmem>>[vector<16xi32>, vector<16xi32>], vector<16xf32>,
      %swap3A_835 = arith.index_cast %add3A_823 : i32 to index
      %swap3A_836 = arith.constant 16 : index
      %swap3A_837 = tpu.vector_load %arg6[%swap3A_835, %swap3A_836] {strides = array<i32>} : memref<512x64xf32, #tpu.memory_space<vmem>>, vector<16xf32>,
      tpu.vector_store %arg6[%swap3A_835, %swap3A_836], %gather3A_834 {strides = array<i32>} : memref<512x64xf32, #tpu.memory_space<vmem>>, vector<16xf32>,
      %add3A_838 = arith.constant 32 : i32
      %add3A_839 = vector.broadcast %add3A_838 : i32 to vector<16xi32>
      %add3A_840 = arith.addi %add3A_839, %iota3A : vector<16xi32>
      %gather3A_841 = tpu.vector_load_idx %arg13[%add3A_840, %broadcast_in_dim3A_819] : memref<64x128xf32, #tpu.memory_space<vmem>>[vector<16xi32>, vector<16xi32>], vector<16xf32>,
      %swap3A_842 = arith.index_cast %add3A_823 : i32 to index
      %swap3A_843 = arith.constant 32 : index
      %swap3A_844 = tpu.vector_load %arg6[%swap3A_842, %swap3A_843] {strides = array<i32>} : memref<512x64xf32, #tpu.memory_space<vmem>>, vector<16xf32>,
      tpu.vector_store %arg6[%swap3A_842, %swap3A_843], %gather3A_841 {strides = array<i32>} : memref<512x64xf32, #tpu.memory_space<vmem>>, vector<16xf32>,
      %add3A_845 = arith.constant 48 : i32
      %add3A_846 = vector.broadcast %add3A_845 : i32 to vector<16xi32>
      %add3A_847 = arith.addi %add3A_846, %iota3A : vector<16xi32>
      %gather3A_848 = tpu.vector_load_idx %arg13[%add3A_847, %broadcast_in_dim3A_819] : memref<64x128xf32, #tpu.memory_space<vmem>>[vector<16xi32>, vector<16xi32>], vector<16xf32>,
      %swap3A_849 = arith.index_cast %add3A_823 : i32 to index
      %swap3A_850 = arith.constant 48 : index
      %swap3A_851 = tpu.vector_load %arg6[%swap3A_849, %swap3A_850] {strides = array<i32>} : memref<512x64xf32, #tpu.memory_space<vmem>>, vector<16xf32>,
      tpu.vector_store %arg6[%swap3A_849, %swap3A_850], %gather3A_848 {strides = array<i32>} : memref<512x64xf32, #tpu.memory_space<vmem>>, vector<16xf32>,
      %dma_wait3A_852 = arith.constant 0 : i32
      %dma_wait3A_853 = tpu.memref_slice %arg2[%dma_wait3A_852, %multiple_of3A_604] : memref<64x1000000xf32, #tpu.memory_space<hbm>> -> memref<64x128xf32, #tpu.memory_space<hbm>>
      %dma_wait3A_854 = arith.constant 0 : i32
      %dma_wait3A_855 = tpu.memref_slice %arg2[%dma_wait3A_854, %multiple_of3A_604] : memref<64x1000000xf32, #tpu.memory_space<hbm>> -> memref<64x128xf32, #tpu.memory_space<hbm>>
      tpu.wait_dma2 semaphore(%arg14 : memref<!tpu.dma_semaphore, #tpu.memory_space<semaphore_mem>>) src(%dma_wait3A_855 : memref<64x128xf32, #tpu.memory_space<hbm>>) dst(%arg7 : memref<64x128xf32, #tpu.memory_space<vmem>>)
      %and3A_856 = arith.constant 127 : i32
      %and3A_857 = arith.andi %reduce_sum3A_159, %and3A_856 : i32
      %broadcast_in_dim3A_858 = vector.broadcast %and3A_857 : i32 to vector<16xi32>
      %mul3A_859 = arith.constant 16 : i32
      %mul3A_860 = arith.muli %add3A_11, %mul3A_859 : i32
      %add3A_861 = arith.constant 14 : i32
      %add3A_862 = arith.addi %mul3A_860, %add3A_861 : i32
      %add3A_863 = arith.constant 0 : i32
      %add3A_864 = vector.broadcast %add3A_863 : i32 to vector<16xi32>
      %add3A_865 = arith.addi %add3A_864, %iota3A : vector<16xi32>
      %gather3A_866 = tpu.vector_load_idx %arg7[%add3A_865, %broadcast_in_dim3A_858] : memref<64x128xf32, #tpu.memory_space<vmem>>[vector<16xi32>, vector<16xi32>], vector<16xf32>,
      %swap3A_867 = arith.index_cast %add3A_862 : i32 to index
      %swap3A_868 = arith.constant 0 : index
      %swap3A_869 = tpu.vector_load %arg6[%swap3A_867, %swap3A_868] {strides = array<i32>} : memref<512x64xf32, #tpu.memory_space<vmem>>, vector<16xf32>,
      tpu.vector_store %arg6[%swap3A_867, %swap3A_868], %gather3A_866 {strides = array<i32>} : memref<512x64xf32, #tpu.memory_space<vmem>>, vector<16xf32>,
      %add3A_870 = arith.constant 16 : i32
      %add3A_871 = vector.broadcast %add3A_870 : i32 to vector<16xi32>
      %add3A_872 = arith.addi %add3A_871, %iota3A : vector<16xi32>
      %gather3A_873 = tpu.vector_load_idx %arg7[%add3A_872, %broadcast_in_dim3A_858] : memref<64x128xf32, #tpu.memory_space<vmem>>[vector<16xi32>, vector<16xi32>], vector<16xf32>,
      %swap3A_874 = arith.index_cast %add3A_862 : i32 to index
      %swap3A_875 = arith.constant 16 : index
      %swap3A_876 = tpu.vector_load %arg6[%swap3A_874, %swap3A_875] {strides = array<i32>} : memref<512x64xf32, #tpu.memory_space<vmem>>, vector<16xf32>,
      tpu.vector_store %arg6[%swap3A_874, %swap3A_875], %gather3A_873 {strides = array<i32>} : memref<512x64xf32, #tpu.memory_space<vmem>>, vector<16xf32>,
      %add3A_877 = arith.constant 32 : i32
      %add3A_878 = vector.broadcast %add3A_877 : i32 to vector<16xi32>
      %add3A_879 = arith.addi %add3A_878, %iota3A : vector<16xi32>
      %gather3A_880 = tpu.vector_load_idx %arg7[%add3A_879, %broadcast_in_dim3A_858] : memref<64x128xf32, #tpu.memory_space<vmem>>[vector<16xi32>, vector<16xi32>], vector<16xf32>,
      %swap3A_881 = arith.index_cast %add3A_862 : i32 to index
      %swap3A_882 = arith.constant 32 : index
      %swap3A_883 = tpu.vector_load %arg6[%swap3A_881, %swap3A_882] {strides = array<i32>} : memref<512x64xf32, #tpu.memory_space<vmem>>, vector<16xf32>,
      tpu.vector_store %arg6[%swap3A_881, %swap3A_882], %gather3A_880 {strides = array<i32>} : memref<512x64xf32, #tpu.memory_space<vmem>>, vector<16xf32>,
      %add3A_884 = arith.constant 48 : i32
      %add3A_885 = vector.broadcast %add3A_884 : i32 to vector<16xi32>
      %add3A_886 = arith.addi %add3A_885, %iota3A : vector<16xi32>
      %gather3A_887 = tpu.vector_load_idx %arg7[%add3A_886, %broadcast_in_dim3A_858] : memref<64x128xf32, #tpu.memory_space<vmem>>[vector<16xi32>, vector<16xi32>], vector<16xf32>,
      %swap3A_888 = arith.index_cast %add3A_862 : i32 to index
      %swap3A_889 = arith.constant 48 : index
      %swap3A_890 = tpu.vector_load %arg6[%swap3A_888, %swap3A_889] {strides = array<i32>} : memref<512x64xf32, #tpu.memory_space<vmem>>, vector<16xf32>,
      tpu.vector_store %arg6[%swap3A_888, %swap3A_889], %gather3A_887 {strides = array<i32>} : memref<512x64xf32, #tpu.memory_space<vmem>>, vector<16xf32>,
      %dma_wait3A_891 = arith.constant 0 : i32
      %dma_wait3A_892 = tpu.memref_slice %arg2[%dma_wait3A_891, %multiple_of3A_652] : memref<64x1000000xf32, #tpu.memory_space<hbm>> -> memref<64x128xf32, #tpu.memory_space<hbm>>
      %dma_wait3A_893 = arith.constant 0 : i32
      %dma_wait3A_894 = tpu.memref_slice %arg2[%dma_wait3A_893, %multiple_of3A_652] : memref<64x1000000xf32, #tpu.memory_space<hbm>> -> memref<64x128xf32, #tpu.memory_space<hbm>>
      tpu.wait_dma2 semaphore(%arg15 : memref<!tpu.dma_semaphore, #tpu.memory_space<semaphore_mem>>) src(%dma_wait3A_894 : memref<64x128xf32, #tpu.memory_space<hbm>>) dst(%arg8 : memref<64x128xf32, #tpu.memory_space<vmem>>)
      %and3A_895 = arith.constant 127 : i32
      %and3A_896 = arith.andi %reduce_sum3A_169, %and3A_895 : i32
      %broadcast_in_dim3A_897 = vector.broadcast %and3A_896 : i32 to vector<16xi32>
      %mul3A_898 = arith.constant 16 : i32
      %mul3A_899 = arith.muli %add3A_11, %mul3A_898 : i32
      %add3A_900 = arith.constant 15 : i32
      %add3A_901 = arith.addi %mul3A_899, %add3A_900 : i32
      %add3A_902 = arith.constant 0 : i32
      %add3A_903 = vector.broadcast %add3A_902 : i32 to vector<16xi32>
      %add3A_904 = arith.addi %add3A_903, %iota3A : vector<16xi32>
      %gather3A_905 = tpu.vector_load_idx %arg8[%add3A_904, %broadcast_in_dim3A_897] : memref<64x128xf32, #tpu.memory_space<vmem>>[vector<16xi32>, vector<16xi32>], vector<16xf32>,
      %swap3A_906 = arith.index_cast %add3A_901 : i32 to index
      %swap3A_907 = arith.constant 0 : index
      %swap3A_908 = tpu.vector_load %arg6[%swap3A_906, %swap3A_907] {strides = array<i32>} : memref<512x64xf32, #tpu.memory_space<vmem>>, vector<16xf32>,
      tpu.vector_store %arg6[%swap3A_906, %swap3A_907], %gather3A_905 {strides = array<i32>} : memref<512x64xf32, #tpu.memory_space<vmem>>, vector<16xf32>,
      %add3A_909 = arith.constant 16 : i32
      %add3A_910 = vector.broadcast %add3A_909 : i32 to vector<16xi32>
      %add3A_911 = arith.addi %add3A_910, %iota3A : vector<16xi32>
      %gather3A_912 = tpu.vector_load_idx %arg8[%add3A_911, %broadcast_in_dim3A_897] : memref<64x128xf32, #tpu.memory_space<vmem>>[vector<16xi32>, vector<16xi32>], vector<16xf32>,
      %swap3A_913 = arith.index_cast %add3A_901 : i32 to index
      %swap3A_914 = arith.constant 16 : index
      %swap3A_915 = tpu.vector_load %arg6[%swap3A_913, %swap3A_914] {strides = array<i32>} : memref<512x64xf32, #tpu.memory_space<vmem>>, vector<16xf32>,
      tpu.vector_store %arg6[%swap3A_913, %swap3A_914], %gather3A_912 {strides = array<i32>} : memref<512x64xf32, #tpu.memory_space<vmem>>, vector<16xf32>,
      %add3A_916 = arith.constant 32 : i32
      %add3A_917 = vector.broadcast %add3A_916 : i32 to vector<16xi32>
      %add3A_918 = arith.addi %add3A_917, %iota3A : vector<16xi32>
      %gather3A_919 = tpu.vector_load_idx %arg8[%add3A_918, %broadcast_in_dim3A_897] : memref<64x128xf32, #tpu.memory_space<vmem>>[vector<16xi32>, vector<16xi32>], vector<16xf32>,
      %swap3A_920 = arith.index_cast %add3A_901 : i32 to index
      %swap3A_921 = arith.constant 32 : index
      %swap3A_922 = tpu.vector_load %arg6[%swap3A_920, %swap3A_921] {strides = array<i32>} : memref<512x64xf32, #tpu.memory_space<vmem>>, vector<16xf32>,
      tpu.vector_store %arg6[%swap3A_920, %swap3A_921], %gather3A_919 {strides = array<i32>} : memref<512x64xf32, #tpu.memory_space<vmem>>, vector<16xf32>,
      %add3A_923 = arith.constant 48 : i32
      %add3A_924 = vector.broadcast %add3A_923 : i32 to vector<16xi32>
      %add3A_925 = arith.addi %add3A_924, %iota3A : vector<16xi32>
      %gather3A_926 = tpu.vector_load_idx %arg8[%add3A_925, %broadcast_in_dim3A_897] : memref<64x128xf32, #tpu.memory_space<vmem>>[vector<16xi32>, vector<16xi32>], vector<16xf32>,
      %swap3A_927 = arith.index_cast %add3A_901 : i32 to index
      %swap3A_928 = arith.constant 48 : index
      %swap3A_929 = tpu.vector_load %arg6[%swap3A_927, %swap3A_928] {strides = array<i32>} : memref<512x64xf32, #tpu.memory_space<vmem>>, vector<16xf32>,
      tpu.vector_store %arg6[%swap3A_927, %swap3A_928], %gather3A_926 {strides = array<i32>} : memref<512x64xf32, #tpu.memory_space<vmem>>, vector<16xf32>,
    }
    %scan3A_6 = arith.constant 32 : i32
    "tpu.region"() ({
      %run_scoped3A = tpu.sem_alloc : memref<!tpu.dma_semaphore, #tpu.memory_space<semaphore_mem>>
      %dma_start3A = arith.constant 0 : i32
      %dma_start3A_7 = tpu.memref_slice %arg4[%mul3A_2, %dma_start3A] : memref<16384x64xf32, #tpu.memory_space<hbm>> -> memref<512x64xf32, #tpu.memory_space<hbm>>
      %dma_start3A_8 = arith.constant 0 : i32
      %dma_start3A_9 = tpu.memref_slice %arg4[%mul3A_2, %dma_start3A_8] : memref<16384x64xf32, #tpu.memory_space<hbm>> -> memref<512x64xf32, #tpu.memory_space<hbm>>
      tpu.enqueue_dma source(%arg6 : memref<512x64xf32, #tpu.memory_space<vmem>>) target(%dma_start3A_9 : memref<512x64xf32, #tpu.memory_space<hbm>>) target_semaphore(%run_scoped3A : memref<!tpu.dma_semaphore, #tpu.memory_space<semaphore_mem>>)
      %dma_wait3A = arith.constant 0 : i32
      %dma_wait3A_10 = tpu.memref_slice %arg4[%mul3A_2, %dma_wait3A] : memref<16384x64xf32, #tpu.memory_space<hbm>> -> memref<512x64xf32, #tpu.memory_space<hbm>>
      %dma_wait3A_11 = arith.constant 0 : i32
      %dma_wait3A_12 = tpu.memref_slice %arg4[%mul3A_2, %dma_wait3A_11] : memref<16384x64xf32, #tpu.memory_space<hbm>> -> memref<512x64xf32, #tpu.memory_space<hbm>>
      tpu.wait_dma2 semaphore(%run_scoped3A : memref<!tpu.dma_semaphore, #tpu.memory_space<semaphore_mem>>) src(%arg6 : memref<512x64xf32, #tpu.memory_space<vmem>>) dst(%dma_wait3A_12 : memref<512x64xf32, #tpu.memory_space<hbm>>)
      tpu.yield
    }) : () -> ()
    return
  }
}

module attributes {stable_mosaic.version = 14 : i64} {
  func.func @_proj_body(%arg0: i32, %arg1: memref<2048x64xf32, #tpu.memory_space<vmem>>, %arg2: memref<64x64xf32, #tpu.memory_space<vmem>>, %arg3: memref<64x2048xf32, #tpu.memory_space<vmem>>) attributes {dimension_semantics = [#tpu.dimension_semantics<arbitrary>], iteration_bounds = array<i64: 8>, scalar_prefetch = 0 : i64, scratch_operands = 0 : i64, tpu.core_type = #tpu.core_type<tc>, window_params = [{transform_indices = @transform_0, window_bounds = array<i64: 2048, 64>}, {pipeline_mode = #tpu.pipeline_mode<synchronous>, transform_indices = @transform_1, window_bounds = array<i64: 64, 64>}, {transform_indices = @transform_2, window_bounds = array<i64: 64, 2048>}]} {
    %get3A = arith.constant 0 : index
    %get3A_0 = arith.constant 0 : index
    %get3A_1 = vector.load %arg1[%get3A, %get3A_0] : memref<2048x64xf32, #tpu.memory_space<vmem>>, vector<2048x64xf32>
    %get3A_2 = arith.constant 0 : index
    %get3A_3 = arith.constant 0 : index
    %get3A_4 = vector.load %arg2[%get3A_2, %get3A_3] : memref<64x64xf32, #tpu.memory_space<vmem>>, vector<64x64xf32>
    %dot_general3A = arith.constant dense<0.000000e+00> : vector<64x2048xf32>
    %dot_general3A_5 = tpu.matmul %get3A_4, %get3A_1, %dot_general3A {dimension_numbers = #tpu.dot_dimension_numbers<[1], [1], [0], [0], [0, 0, 1, 0], [], []>, transpose_lhs_hint = false} : vector<64x64xf32>, vector<2048x64xf32>, vector<64x2048xf32> -> vector<64x2048xf32>
    %mul3A = arith.mulf %dot_general3A_5, %dot_general3A_5 : vector<64x2048xf32>
    %reduce_sum3A = arith.constant dense<0.000000e+00> : vector<2048xf32>
    %reduce_sum3A_6 = vector.multi_reduction <add>, %mul3A, %reduce_sum3A [0] : vector<64x2048xf32> to vector<2048xf32>
    %broadcast_in_dim3A = vector.shape_cast %reduce_sum3A_6 : vector<2048xf32> to vector<1x2048xf32>
    %sqrt3A = math.sqrt %broadcast_in_dim3A : vector<1x2048xf32>
    %max3A = arith.constant 9.99999996E-13 : f32
    %max3A_7 = vector.broadcast %max3A : f32 to vector<1x2048xf32>
    %max3A_8 = arith.maximumf %sqrt3A, %max3A_7 : vector<1x2048xf32>
    %div3A = vector.broadcast %max3A_8 : vector<1x2048xf32> to vector<64x2048xf32>
    %div3A_9 = arith.divf %dot_general3A_5, %div3A : vector<64x2048xf32>
    %swap3A = arith.constant 0 : index
    %swap3A_10 = arith.constant 0 : index
    %swap3A_11 = vector.load %arg3[%swap3A, %swap3A_10] : memref<64x2048xf32, #tpu.memory_space<vmem>>, vector<64x2048xf32>
    tpu.vector_store %arg3[%swap3A, %swap3A_10], %div3A_9 {strides = array<i32>} : memref<64x2048xf32, #tpu.memory_space<vmem>>, vector<64x2048xf32>,
    return
  }
  func.func @transform_0(%arg0: i32) -> (i32, i32) {
    %c0_i32 = arith.constant 0 : i32
    %c0_i32_0 = arith.constant 0 : i32
    return %arg0, %c0_i32 : i32, i32
  }
  func.func @transform_1(%arg0: i32) -> (i32, i32) {
    %c0_i32 = arith.constant 0 : i32
    %c0_i32_0 = arith.constant 0 : i32
    %c0_i32_1 = arith.constant 0 : i32
    return %c0_i32, %c0_i32_0 : i32, i32
  }
  func.func @transform_2(%arg0: i32) -> (i32, i32) {
    %c0_i32 = arith.constant 0 : i32
    %c0_i32_0 = arith.constant 0 : i32
    return %c0_i32, %arg0 : i32, i32
  }
}

</mosaic_0001>

<sc_bundles>
// kernel: kernel.4.cloned.1.call-start
scs
__scs_entry_jumppad:
0x0: {  	(pc) =	sbr.rel $0x88, $3  }
0x1: {  	(tag) =	ssettag $0x0;
	lr =	simm.s32 $0x1  }
0x2: {  	[smem:$0x3F9E] =	sst lr;
	_ =	strace $0xD0000000  }
0x3: {  	_ = 	snop  }
0x4: {  	_ = 	snop  }
0x5: {  	_ = 	snop  }
0x6: {  	_ = 	snop  }
0x7: {  	_ = 	snop  }
__scs_overlays_trampoline_lowered:
0x8: {  	[smem:$0x3FAD] =	sst s0  }
0x9: {  	[smem:$0x3FAE] =	sst s1  }
0xa: {  	[smem:$0x3FAF] =	sst s2  }
0xb: {  	[smem:$0x3FB0] =	sst s3  }
0xc: {  	[smem:$0x3FB1] =	sst s4  }
0xd: {  	[smem:$0x3FB2] =	sst s5  }
0xe: {  	[smem:$0x3FB3] =	sst s6  }
0xf: {  	[smem:$0x3FB4] =	sst s7  }
0x10: {  	[smem:$0x3FB5] =	sst s8  }
0x11: {  	[smem:$0x3FB6] =	sst s9;
	s0 =	simm.s32 @!p0 $0x0  }
0x12: {  	s1 =	sld [smem:$0x3F9C];
	s0 =	simm.s32 @p0 $0x1  }
0x13: {  	[smem:$0x3FB7] =	sst s0;
	s0 =	simm.s32 @!p1 $0x0  }
0x14: {  	s2 =	sld [smem:$0x3F9B];
	s0 =	simm.s32 @p1 $0x1  }
0x15: {  	[smem:$0x3FB8] =	sst s0;
	s0 =	simm.s32 @!p2 $0x0  }
0x16: {  	s3 =	sld [smem:$0x3FDB];
	s0 =	simm.s32 @p2 $0x1  }
0x17: {  	s4 =	simm.s32 $0x1BF5;
	[smem:$0x3FBA] =	sst s0  }
0x18: {  	s0 =	sld [smem:$0x3F9D];
	_ =	swait.ge [sflag:s4], $0x0  }
0x19: {  	s7 =	sld [smem:$0x3F9E]  }
0x1a: {  	s8 =	sadd.s32 $0xFFFFE003, lr  }
0x1b: {  	s9 =	sadd.s32 $0xFFFFFEF7, lr;
	s5 =	simm.s32 $0xFFFFFFFF;
	p2 =	slt.u32 s8, $0xFFFFF086  }
0x1c: {  	p1 =	slt.u32 s9, $0xF7A;
	s5 =	simm.s32 @!p2 $0x0  }
0x1d: {  	s5 =	simm.s32 @p1 $0x1;
	p0 =	seq.s32 s7, s2  }
0x1e: {  	s7 =	smul.u32 @!p0 $0xF7A, s2;
	p2 =	seq.s32 @!p0 s5, $0x0  }
0x1f: {  	s9 =	smul.u32 $0xF7A, s1;
	s8 =	simm.s32 @!p0 $0x1BF5;
	p2 =	por !p2, p0  }
0x20: {  	[sflag:s8] =	ssyncset.s32 @!p0 $0xFFFFF086;
	s6 =	sadd.s32 @!p0 s3, s7;
	s7 =	simm.s32 @!p0 $0x108  }
0x21: {  	s3 =	sadd.s32 s3, s9;
	s6 =	sadd.s32 @!p0 $0x88, s6;
	s7 =	simm.s32 @p2 $0x1082  }
0x22: {  	[simem:s7], [sflag:s8] =	dma.local @!p0 [hbm:s6], $0xF7A  }
0x23: {  	s9 =	sor.u32 $0xD0000000, s2;
	s6 =	simm.s32 $0x108;
	_ =	swait.ge @!p0 [sflag:s8], $0x0  }
0x24: {  	s3 =	sadd.s32 $0x88, s3;
	s6 =	simm.s32 @!p1 $0x1082;
	[sflag:s4] =	ssyncset.s32 $0xFFFFF086  }
0x25: {  	[simem:s6], [sflag:s4] =	dma.local [hbm:s3], $0xF7A  }
0x26: {  	[smem:$0x3F9E] =	sst s1;
	(tag) =	ssettag s2;
	_ =	strace s9  }
0x27: {  	s1 =	sld [smem:$0x3FAE]  }
0x28: {  	s2 =	sld [smem:$0x3FAF]  }
0x29: {  	s4 =	sld [smem:$0x3FB1]  }
0x2a: {  	p0 =	seq.s32 s5, $0x0;
	s5 =	sld [smem:$0x3FB2]  }
0x2b: {  	s6 =	sld [smem:$0x3FB3]  }
0x2c: {  	s7 =	sld [smem:$0x3FB4]  }
0x2d: {  	s3 =	simm.s32 $0x108;
	s8 =	sld [smem:$0x3FB5]  }
0x2e: {  	s3 =	simm.s32 @!p0 $0x1082;
	s9 =	sld [smem:$0x3FB6]  }
0x2f: {  	lr =	sadd.s32 s0, s3;
	s0 =	sld [smem:$0x3FAD]  }
0x30: {  	s3 =	sld [smem:$0x3FB0]  }
0x31: {  	[smem:$0x3FB9] =	sst s10  }
0x32: {  	s10 =	sld [smem:$0x3FB7];
	_ =	sdelay $0x3  }
0x33: {  	p0 =	seq.s32 s10, $0x1;
	s10 =	sld [smem:$0x3FB9];
	_ =	sdelay $0x3  }
0x34: {  	[smem:$0x3FB9] =	sst s10  }
0x35: {  	s10 =	sld [smem:$0x3FB8];
	_ =	sdelay $0x3  }
0x36: {  	p1 =	seq.s32 s10, $0x1;
	s10 =	sld [smem:$0x3FB9];
	_ =	sdelay $0x3  }
0x37: {  	[smem:$0x3FB9] =	sst s10  }
0x38: {  	s10 =	sld [smem:$0x3FBA]  }
0x39: {  	_ = 	snop;
	(pc) =	sbr.ind lr, $3  }
0x3a: {  	_ = 	snop  }
0x3b: {  	_ = 	snop  }
0x3c: {  	p2 =	seq.s32 s10, $0x1;
	s10 =	sld [smem:$0x3FB9]  }
0x3d: {  	_ =	shalt  }
0x3e: {  	_ =	shalt  }
0x3f: {  	_ =	shalt  }
0x40: {  	_ =	shalt  }
0x41: {  	_ =	shalt  }
0x42: {  	_ =	shalt  }
0x43: {  	_ =	shalt  }
0x44: {  	_ =	shalt  }
0x45: {  	_ =	shalt  }
0x46: {  	_ =	shalt  }
0x47: {  	_ =	shalt  }
0x48: {  	_ =	shalt  }
0x49: {  	_ =	shalt  }
0x4a: {  	_ =	shalt  }
0x4b: {  	_ =	shalt  }
0x4c: {  	_ =	shalt  }
0x4d: {  	_ =	shalt  }
0x4e: {  	_ =	shalt  }
0x4f: {  	_ =	shalt  }
0x50: {  	_ =	shalt  }
0x51: {  	_ =	shalt  }
0x52: {  	_ =	shalt  }
0x53: {  	_ =	shalt  }
0x54: {  	_ =	shalt  }
0x55: {  	_ =	shalt  }
0x56: {  	_ =	shalt  }
0x57: {  	_ =	shalt  }
0x58: {  	_ =	shalt  }
0x59: {  	_ =	shalt  }
0x5a: {  	_ =	shalt  }
0x5b: {  	_ =	shalt  }
0x5c: {  	_ =	shalt  }
0x5d: {  	_ =	shalt  }
0x5e: {  	_ =	shalt  }
0x5f: {  	_ =	shalt  }
0x60: {  	_ =	shalt  }
0x61: {  	_ =	shalt  }
0x62: {  	_ =	shalt  }
0x63: {  	_ =	shalt  }
0x64: {  	_ =	shalt  }
0x65: {  	_ =	shalt  }
0x66: {  	_ =	shalt  }
0x67: {  	_ =	shalt  }
0x68: {  	_ =	shalt  }
0x69: {  	_ =	shalt  }
0x6a: {  	_ =	shalt  }
0x6b: {  	_ =	shalt  }
0x6c: {  	_ =	shalt  }
0x6d: {  	_ =	shalt  }
0x6e: {  	_ =	shalt  }
0x6f: {  	_ =	shalt  }
0x70: {  	_ =	shalt  }
0x71: {  	_ =	shalt  }
0x72: {  	_ =	shalt  }
0x73: {  	_ =	shalt  }
0x74: {  	_ =	shalt  }
0x75: {  	_ =	shalt  }
0x76: {  	_ =	shalt  }
0x77: {  	_ =	shalt  }
0x78: {  	_ =	shalt  }
0x79: {  	_ =	shalt  }
0x7a: {  	_ =	shalt  }
0x7b: {  	_ =	shalt  }
0x7c: {  	_ =	shalt  }
0x7d: {  	_ =	shalt  }
0x7e: {  	_ =	shalt  }
0x7f: {  	_ =	shalt  }
0x80: {  	_ =	shalt  }
0x81: {  	_ =	shalt  }
0x82: {  	_ =	shalt  }
0x83: {  	_ =	shalt  }
0x84: {  	_ =	shalt  }
0x85: {  	_ =	shalt  }
0x86: {  	_ =	shalt  }
0x87: {  	_ =	shalt  }
.Lfunc_end0:
.L_simem_size_0:
called_computation_lowered:
.L_overlay_start_0:
0x88: {  	s2 =	sld [smem:$0x3FD9]  }
0x89: {  	s3 =	sld [smem:$0x3FFE];
	_ =	sdelay $0x1  }
0x8a: {  	s1 =	srdreg.scid  }
0x8b: {  	s0 =	sand.u32 $0x1, s1  }
0x8c: {  	s17 =	sshll.u32 s0, $0xA;
	s2 =	sadd.s32 s3, s2  }
0x8d: {  	s2 =	sadd.s32 s2, s17  }
0x8e: {  	[smem:$0x3FC5] =	sst s2  }
0x8f: {  	_ = 	snop  }
0x90: {  	s2 =	sld [smem:$0x3FC9]  }
0x91: {  	s18 =	sld [smem:$0x3FC8];
	(tm) =	ssettm $0x1  }
0x92: {  	s4 =	sld [smem:$0x3FFB];
	_ =	sdelay $0x3  }
0x93: {  	_ =	strace s4  }
0x94: {  	s4 =	sld [smem:$0x3FFC];
	_ =	sdelay $0x3  }
0x95: {  	_ =	strace s4  }
0x96: {  	s4 =	sld [smem:$0x3FFD];
	_ =	sdelay $0x3  }
0x97: {  	_ =	strace s4  }
0x98: {  	_ =	strace $0x8FFFFFFF  }
0x99: {  	s19 =	sld [smem:$0x3FDB];
	_ =	sdelay $0x1  }
0x9a: {  	s5 =	simm.s32 $_scs_section_size  }
0x9b: {  	s6 =	simm.s32 $_size__tile_overlayer_lowered;
	s7 =	simm.s32 $_tile_overlayer_lowered  }
0x9c: {  	s22 =	simm.s32 $0x1BFF;
	s21 =	sshll.u32 s7, $0x1;
	s4 =	sadd.s32 s5, s19  }
0x9d: {  	s8 =	simm.s32 $0x0;
	s20 =	sshll.u32 s6, $0x1;
	s6 =	sadd.s32 s21, s4  }
0x9e: {  	[timem:s8], [sflag:s22] =	dma.local [hbm:s6], s20  }
0x9f: {  	_ =	swait.ge [sflag:s22], s20  }
0xa0: {  	s5 =	ssub.s32 $0x0, s20;
	[sflag:s22] =	ssyncset.done $0x0  }
0xa1: {  	[sflag:s22] =	ssyncadd.s32 s5;
	_ =	sdelay $0x1  }
0xa2: {  	s23 =	simm.s32 $0x1B8B  }
0xa3: {  	_ =	swait.ge [sflag:s23], $0x1  }
0xa4: {  	[sflag:s23] =	ssyncset.done $0x0  }
0xa5: {  	s25 =	simm.s32 $0x1B8E;
	s24 =	sld [smem:$0x3FFE];
	[sflag:s23] =	ssyncadd.s32 $0xFFFFFFFF  }
0xa6: {  	s26 =	simm.s32 $execute0_lowered;
	[smem:$0x3FD2] =	sst s25  }
0xa7: {  	s6 =	sshll.u32 s26, $0x1;
	_ =	strace $0x80000046;
	[dreg:$0x1] =	wrdreg $0xFFFFFFFF  }
0xa8: {  	s28 =	simm.s32 $_size_execute0_lowered;
	s4 =	sadd.s32 s4, s6;
	[dreg:$0x0] =	wrdreg $0x0  }
0xa9: {  	s6 =	sshll.u32 s28, $0x1;
	[dreg:$0x2] =	wrdreg s4  }
0xaa: {  	[dreg:$0x3] =	wrdreg s6  }
0xab: {  	[dreg:$0x4] =	wrdreg $0xC0  }
0xac: {  	_ =	task [dreg:s8], $0x5FFFF  }
0xad: {  	[dreg:$0x1] =	wrdreg $0xFFFFFFFF  }
0xae: {  	[dreg:$0x0] =	wrdreg $0x60  }
0xaf: {  	[dreg:$0x2] =	wrdreg s18  }
0xb0: {  	[dreg:$0x3] =	wrdreg s2  }
0xb1: {  	[dreg:$0x4] =	wrdreg s24  }
0xb2: {  	[dreg:$0x5] =	wrdreg $0x9  }
0xb3: {  	_ =	task.clear_ibuf [dreg:s8], $0x6FFFF;
	_ =	strace $0x90000046  }
0xb4: {  	s29 =	simm.s32 $0x9;
	_ =	strace $0x80000048  }
0xb5: {  	_ =	swait.ge [sflag:s29], $0x1  }
0xb6: {  	[sflag:s29] =	ssyncadd.s32 $0xFFFFFFFF  }
0xb7: {  	_ =	strace $0x90000048  }
0xb8: {  	_ =	sfence  }
0xb9: {  	s30 =	sld [smem:$0x0];
	_ =	sdelay $0x2  }
0xba: {  	s31 =	sshll.u32 s1, $0xD;
	s1 =	sshrl.u32 s1, $0x2  }
0xbb: {  	s3 =	sand.u32 $0x4000, s31;
	s1 =	sadd.s32 s1, s30  }
0xbc: {  	s0 =	sor.u32 s3, s0;
	s1 =	sshll.u32 s1, $0x11  }
0xbd: {  	s0 =	sor.u32 s1, s0  }
0xbe: {  	s0 =	sadd.s32 $0x8F2B, s0  }
0xbf: {  	[sflag:s0] =	ssyncadd.remote.s32 $0x1  }
0xc0: {  	_ =	sfence.sel $0xFFFF  }
0xc1: {  	[dreg:$0x0] =	wrdreg $0xFFFFFFFF;
	(pc) =	sbr.abs _section_cstart, $3  }
0xc2: {  	[dreg:$0x1] =	wrdreg $0xFFFFFFFF  }
0xc3: {  	_ =	task.clear_ibuf [dreg:s8], $0x2FFFF;
	_ =	strace $0x9FFFFFFF  }
0xc4: {  	(tm) =	ssettm $0x7FFFFFFF  }
0xc5: {  	_ =	shalt  }
tec
execute0_lowered:
.L_overlay_start_1:
0x0: {  	(tag) =	ssettag $0x1  }
0x1: {  	s1 =	rddreg [dreg:$0x0]  }
0x2: {  	s0 =	rddreg [dreg:$0x1]  }
0x3: {  	s2 =	rddreg [dreg:$0x2];
	s3 =	srdreg.scid  }
0x4: {  	s7 =	simm.s32 $0x0;
	s4 =	stileid.u32;
	s8 =	simm.s32 $0x400  }
0x5: {  	s9 =	simm.s32 $0x7A1400;
	s10 =	simm.s32 $0x10200;
	s11 =	simm.s32 $0x12200  }
0x6: {  	s12 =	simm.s32 $0x14200;
	s13 =	simm.s32 $0x16200;
	s14 =	simm.s32 $0x18200  }
0x7: {  	s15 =	simm.s32 $0x1A200;
	s16 =	simm.s32 $0x1C200;
	s3 =	sand.u32 $0x1, s3  }
0x8: {  	vm0 =	vcmask $0x308;
	vm1 =	vcmask $0x70C;
	vm2 =	vcmask $0xB10;
	s17 =	simm.s32 $0x1;
	s4 =	sshll.u32 s4, $0xA;
	s5 =	sshll.u32 s3, $0x9  }
0x9: {  	vm3 =	vmmov $0x1;
	vm4 =	vcmask $0xF14;
	vm5 =	vcmask $0x1318;
	[smem:$0x7FF] =	sst s7;
	s3 =	ssub.s32 $0x2, s3;
	s4 =	sor.u32 s5, s4  }
0xa: {  	vm6 =	vcmask $0x171C;
	vm7 =	vcmask $0x1B20;
	vm8 =	vcmask $0x1F24;
	s6 =	sshrl.u32 s3, $0x1;
	s5 =	sshll.u32 s4, $0x4;
	s4 =	sshrl.u32 s4, $0x3  }
0xb: {  	vm9 =	vcmask $0x2328;
	vm10 =	vcmask $0x272C;
	v0 =	vlaneseq.u32;
	_ =	strace $0x80000047;
	s3 =	ssub.s32 s3, s6;
	s0 =	sadd.s32 s0, s4  }
0xc: {  	vm11 =	vcmask $0x2B30;
	vm12 =	vcmask $0x2F34;
	v0 =	vmul.u32 $0x80, v0;
	s2 =	sadd.s32 s5, s2;
	s31 =	smax.u32 s3, $0x1;
	[dreg:$0x4] =	wrdreg s0  }
0xd: {  	s18 =	simm.s32 $0x2;
	vm13 =	vcmask $0x3338;
	vm14 =	vcmask $0x373C;
	vm15 =	vmmov $0x7fff;
	s30 =	sadd.s32 $0x800, s2;
	[dreg:$0x6] =	wrdreg s31  }
0xe: {  	v1 =	vor.u32 $0x800, v0;
	v2 =	vor.u32 $0x1000, v0;
	v3 =	vor.u32 $0x1800, v0;
	s3 =	simm.s32 $0x0;
	s2 =	simm.s32 $0x8;
	[dreg:$0x5] =	wrdreg s30  }
.LBB2_1:
0xf: {  	[dreg:$0x7] =	wrdreg s3  }
0x10: {  	s0 =	rddreg [dreg:$0x4]  }
0x11: {  	[tilespmem:s7], [sflag:$0x8] =	stream.linear.gather [hbm4b:s0+s7], $0x200, $0x38;
	[tilespmem:$0x1E200] =	vst v63  }
0x12: {  	_ =	swait.ge [sflag:s2], $0x200  }
0x13: {  	[sflag:s2] =	ssyncset.done $0x0  }
0x14: {  	s26 =	simm.s32 $0x600;
	s28 =	simm.s32 $0x0;
	[sflag:s2] =	ssyncadd.s32 $0xFFFFFE00  }
.LBB2_2:
0x15: {  	s0 =	sshra.s32 s28, $0x2  }
0x16: {  	v4 =	vld [tilespmem:s0+$0x0];
	_ =	sdelay $0x4  }
0x17: {  	v5 =	vnsel vm3, $0x0, v4  }
0x18: {  	(xrf0) =	vadd.scan.msk.s32 $0xffff, v5;
	v5 =	vsel vm0, $0x0, v4  }
0x19: {  	(xrf0) =	vadd.scan.msk.s32 $0xffff, v5;
	v5 =	vsel vm1, $0x0, v4  }
0x1a: {  	(xrf0) =	vadd.scan.msk.s32 $0xffff, v5;
	v5 =	vsel vm2, $0x0, v4  }
0x1b: {  	(xrf0) =	vadd.scan.msk.s32 $0xffff, v5;
	v5 =	vsel vm4, $0x0, v4;
	_ =	sdelay $0x1  }
0x1c: {  	(xrf0) =	vadd.scan.msk.s32 $0xffff, v5  }
0x1d: {  	v6 =	vsel vm5, $0x0, v4;
	v5, _, _ =	vpop (xrf0)  }
0x1e: {  	(xrf0) =	vadd.scan.msk.s32 $0xffff, v6;
	(v2sf) =	vpush v5, $0xF;
	v5, _, _ =	vpop (xrf0)  }
0x1f: {  	v55 =	vsel vm6, $0x0, v4;
	(v2sf) =	vpush v5, $0xF;
	v5, _, _ =	vpop (xrf0)  }
0x20: {  	(xrf0) =	vadd.scan.msk.s32 $0xffff, v55;
	(v2sf) =	vpush v5, $0xF;
	v5 =	vsel vm7, $0x0, v4  }
0x21: {  	v56, _, _ =	vpop (xrf0);
	(xrf0) =	vadd.scan.msk.s32 $0xffff, v5  }
0x22: {  	v5 =	vsel vm8, $0x0, v4;
	(v2sf) =	vpush v56, $0xF;
	v57, _, _ =	vpop (xrf0)  }
0x23: {  	(xrf0) =	vadd.scan.msk.s32 $0xffff, v5;
	(v2sf) =	vpush v57, $0xF;
	v5 =	vsel vm9, $0x0, v4  }
0x24: {  	v58, _, _ =	vpop (xrf0);
	(xrf0) =	vadd.scan.msk.s32 $0xffff, v5  }
0x25: {  	v5 =	vsel vm10, $0x0, v4;
	(v2sf) =	vpush v58, $0xF  }
0x26: {  	v59, _, _ =	vpop (xrf0);
	(xrf0) =	vadd.scan.msk.s32 $0xffff, v5;
	v5 =	vsel vm11, $0x0, v4  }
0x27: {  	(v2sf) =	vpush v59, $0xF;
	v60, _, _ =	vpop (xrf0);
	(xrf0) =	vadd.scan.msk.s32 $0xffff, v5  }
0x28: {  	v5 =	vsel vm12, $0x0, v4  }
0x29: {  	(v2sf) =	vpush v60, $0xF;
	v61, _, _ =	vpop (xrf0);
	(xrf0) =	vadd.scan.msk.s32 $0xffff, v5;
	v5 =	vsel vm13, $0x0, v4  }
0x2a: {  	(v2sf) =	vpush v61, $0xF;
	v62, _, _ =	vpop (xrf0);
	(xrf0) =	vadd.scan.msk.s32 $0xffff, v5;
	v5 =	vsel vm14, $0x0, v4;
	_ =	sdelay $0x1  }
0x2b: {  	v4 =	vsel vm15, $0x0, v4;
	(v2sf) =	vpush v62, $0xF;
	v63, _, _ =	vpop (xrf0);
	(xrf0) =	vadd.scan.msk.s32 $0xffff, v5  }
0x2c: {  	s29 =	spop (v2sf);
	v5, _, _ =	vpop (xrf0);
	(xrf0) =	vadd.scan.msk.s32 $0xffff, v4  }
0x2d: {  	(v2sf) =	vpush v63, $0xF;
	s21 =	spop (v2sf);
	s23 =	sand.u32 $0xFFFFF80, s29  }
0x2e: {  	s20 =	spop (v2sf);
	s0 =	sadd.s32 s1, s23  }
0x2f: {  	v4, _, _ =	vpop (xrf0);
	(v2sf) =	vpush v5, $0xF;
	[tilespmem:s10], [sflag:$0x1] =	stream.strided.gather [hbm4b:s0+s8], $0x2000, s9, s8, $0x38;
	[tilespmem:$0x1E200] =	vst v63  }
0x30: {  	(v2sf) =	vpush v4, $0xF;
	v4, _, _ =	vpop (xrf0);
	s24 =	sand.u32 $0xFFFFF80, s21;
	s19 =	spop (v2sf)  }
0x31: {  	v5, _, _ =	vpop (xrf0);
	(v2sf) =	vpush v4, $0xF;
	s0 =	sadd.s32 s1, s24;
	s30 =	sand.u32 $0xFFFFF80, s20;
	s25 =	spop (v2sf)  }
0x32: {  	(v2sf) =	vpush v5, $0xF;
	[tilespmem:s11], [sflag:$0x2] =	stream.strided.gather [hbm4b:s0+s8], $0x2000, s9, s8, $0x38;
	v4, _, _ =	vpop (xrf0);
	[tilespmem:$0x1E200] =	vst v63  }
0x33: {  	s31 =	sand.u32 $0xFFFFF80, s19;
	s0 =	sadd.s32 s1, s30;
	s7 =	spop (v2sf);
	(v2sf) =	vpush v4, $0xF  }
0x34: {  	[tilespmem:s12], [sflag:$0x3] =	stream.strided.gather [hbm4b:s0+s8], $0x2000, s9, s8, $0x38;
	[tilespmem:$0x1E200] =	vst v63  }
0x35: {  	s6 =	spop (v2sf);
	s0 =	sadd.s32 s1, s31  }
0x36: {  	[tilespmem:s13], [sflag:$0x4] =	stream.strided.gather [hbm4b:s0+s8], $0x2000, s9, s8, $0x38;
	[tilespmem:$0x1E200] =	vst v63  }
0x37: {  	s2 =	sand.u32 $0xFFFFF80, s25;
	s5 =	spop (v2sf)  }
0x38: {  	s30 =	sand.u32 $0xFFFFF80, s7;
	s0 =	sadd.s32 s1, s2;
	s4 =	spop (v2sf)  }
0x39: {  	[tilespmem:s14], [sflag:$0x5] =	stream.strided.gather [hbm4b:s0+s8], $0x2000, s9, s8, $0x38;
	[tilespmem:$0x1E200] =	vst v63  }
0x3a: {  	s30 =	sadd.s32 s1, s30;
	s22 =	sand.u32 $0xFFFFF80, s6;
	s3 =	spop (v2sf)  }
0x3b: {  	[tilespmem:s15], [sflag:$0x6] =	stream.strided.gather [hbm4b:s30+s8], $0x2000, s9, s8, $0x38;
	[tilespmem:$0x1E200] =	vst v63  }
0x3c: {  	s22 =	sadd.s32 s1, s22;
	s24 =	spop (v2sf)  }
0x3d: {  	[tilespmem:s16], [sflag:$0x7] =	stream.strided.gather [hbm4b:s22+s8], $0x2000, s9, s8, $0x38;
	[tilespmem:$0x1E200] =	vst v63  }
0x3e: {  	s2 =	spop (v2sf)  }
0x3f: {  	s0 =	spop (v2sf)  }
0x40: {  	s23 =	sand.u32 $0x7F, s29;
	s31 =	spop (v2sf)  }
0x41: {  	v4 =	vor.u32 s23, v0;
	s30 =	spop (v2sf)  }
0x42: {  	s29 =	spop (v2sf)  }
0x43: {  	_ =	swait.ge [sflag:s17], $0x2000  }
0x44: {  	[sflag:s17] =	ssyncset.done $0x0  }
0x45: {  	[sflag:s17] =	ssyncadd.s32 $0xFFFFE000  }
0x46: {  	v4 =	vld.idx.msk [tilespmem:v4+s10+$0x0], $0xffff  }
0x47: {  	v5 =	vor.u32 s23, v1;
	_ =	sdelay $0x3  }
0x48: {  	[tilespmem:s26+$0xFFFFFC00] =	vst v4  }
0x49: {  	v4 =	vld.idx.msk [tilespmem:v5+s10+$0x0], $0xffff  }
0x4a: {  	v5 =	vor.u32 s23, v2;
	_ =	sdelay $0x3  }
0x4b: {  	[tilespmem:s26+$0xFFFFFC10] =	vst v4  }
0x4c: {  	v4 =	vld.idx.msk [tilespmem:v5+s10+$0x0], $0xffff  }
0x4d: {  	v5 =	vor.u32 s23, v3;
	_ =	sdelay $0x3  }
0x4e: {  	[tilespmem:s26+$0xFFFFFC20] =	vst v4  }
0x4f: {  	v4 =	vld.idx.msk [tilespmem:v5+s10+$0x0], $0xffff;
	_ =	sdelay $0x3  }
0x50: {  	s21 =	sand.u32 $0x7F, s21;
	s22 =	sand.u32 $0xFFFFF80, s5  }
0x51: {  	s22 =	sadd.s32 s1, s22;
	[tilespmem:s26+$0xFFFFFC30] =	vst v4;
	v4 =	vor.u32 s21, v0  }
0x52: {  	[tilespmem:s10], [sflag:$0x1] =	stream.strided.gather [hbm4b:s22+s8], $0x2000, s9, s8, $0x38;
	[tilespmem:$0x1E200] =	vst v63  }
0x53: {  	_ =	swait.ge [sflag:s18], $0x2000  }
0x54: {  	[sflag:s18] =	ssyncset.done $0x0  }
0x55: {  	[sflag:s18] =	ssyncadd.s32 $0xFFFFE000  }
0x56: {  	v4 =	vld.idx.msk [tilespmem:v4+s11+$0x0], $0xffff  }
0x57: {  	v5 =	vor.u32 s21, v1;
	_ =	sdelay $0x3  }
0x58: {  	[tilespmem:s26+$0xFFFFFC80] =	vst v4  }
0x59: {  	v4 =	vld.idx.msk [tilespmem:v5+s11+$0x0], $0xffff  }
0x5a: {  	v5 =	vor.u32 s21, v2;
	_ =	sdelay $0x3  }
0x5b: {  	[tilespmem:s26+$0xFFFFFC90] =	vst v4  }
0x5c: {  	v4 =	vld.idx.msk [tilespmem:v5+s11+$0x0], $0xffff  }
0x5d: {  	v5 =	vor.u32 s21, v3;
	_ =	sdelay $0x3  }
0x5e: {  	[tilespmem:s26+$0xFFFFFCA0] =	vst v4  }
0x5f: {  	v4 =	vld.idx.msk [tilespmem:v5+s11+$0x0], $0xffff;
	_ =	sdelay $0x3  }
0x60: {  	s21 =	sand.u32 $0xFFFFF80, s4  }
0x61: {  	s20 =	sand.u32 $0x7F, s20;
	s21 =	sadd.s32 s1, s21;
	[tilespmem:s26+$0xFFFFFCB0] =	vst v4  }
0x62: {  	v4 =	vor.u32 s20, v0;
	[tilespmem:s11], [sflag:$0x2] =	stream.strided.gather [hbm4b:s21+s8], $0x2000, s9, s8, $0x38;
	[tilespmem:$0x1E200] =	vst v63  }
0x63: {  	s21 =	simm.s32 $0x3  }
0x64: {  	_ =	swait.ge [sflag:s21], $0x2000  }
0x65: {  	[sflag:s21] =	ssyncset.done $0x0  }
0x66: {  	[sflag:s21] =	ssyncadd.s32 $0xFFFFE000  }
0x67: {  	v4 =	vld.idx.msk [tilespmem:v4+s12+$0x0], $0xffff  }
0x68: {  	v5 =	vor.u32 s20, v1;
	_ =	sdelay $0x3  }
0x69: {  	[tilespmem:s26+$0xFFFFFD00] =	vst v4  }
0x6a: {  	v4 =	vld.idx.msk [tilespmem:v5+s12+$0x0], $0xffff  }
0x6b: {  	v5 =	vor.u32 s20, v2;
	_ =	sdelay $0x3  }
0x6c: {  	[tilespmem:s26+$0xFFFFFD10] =	vst v4  }
0x6d: {  	v4 =	vld.idx.msk [tilespmem:v5+s12+$0x0], $0xffff  }
0x6e: {  	v5 =	vor.u32 s20, v3;
	_ =	sdelay $0x3  }
0x6f: {  	[tilespmem:s26+$0xFFFFFD20] =	vst v4  }
0x70: {  	v4 =	vld.idx.msk [tilespmem:v5+s12+$0x0], $0xffff;
	_ =	sdelay $0x3  }
0x71: {  	s19 =	sand.u32 $0x7F, s19;
	s20 =	sand.u32 $0xFFFFF80, s3  }
0x72: {  	s22 =	simm.s32 $0x4;
	s20 =	sadd.s32 s1, s20;
	[tilespmem:s26+$0xFFFFFD30] =	vst v4;
	v4 =	vor.u32 s19, v0  }
0x73: {  	[tilespmem:s12], [sflag:$0x3] =	stream.strided.gather [hbm4b:s20+s8], $0x2000, s9, s8, $0x38;
	[tilespmem:$0x1E200] =	vst v63  }
0x74: {  	_ =	swait.ge [sflag:s22], $0x2000  }
0x75: {  	[sflag:s22] =	ssyncset.done $0x0  }
0x76: {  	[sflag:s22] =	ssyncadd.s32 $0xFFFFE000  }
0x77: {  	v4 =	vld.idx.msk [tilespmem:v4+s13+$0x0], $0xffff  }
0x78: {  	v5 =	vor.u32 s19, v1;
	_ =	sdelay $0x3  }
0x79: {  	[tilespmem:s26+$0xFFFFFD80] =	vst v4  }
0x7a: {  	v4 =	vld.idx.msk [tilespmem:v5+s13+$0x0], $0xffff  }
0x7b: {  	v5 =	vor.u32 s19, v2;
	_ =	sdelay $0x3  }
0x7c: {  	[tilespmem:s26+$0xFFFFFD90] =	vst v4  }
0x7d: {  	v4 =	vld.idx.msk [tilespmem:v5+s13+$0x0], $0xffff  }
0x7e: {  	v5 =	vor.u32 s19, v3;
	_ =	sdelay $0x3  }
0x7f: {  	[tilespmem:s26+$0xFFFFFDA0] =	vst v4  }
0x80: {  	v4 =	vld.idx.msk [tilespmem:v5+s13+$0x0], $0xffff;
	_ =	sdelay $0x3  }
0x81: {  	s25 =	sand.u32 $0x7F, s25;
	s20 =	sand.u32 $0xFFFFF80, s24  }
0x82: {  	s23 =	simm.s32 $0x5;
	s19 =	sadd.s32 s1, s20;
	[tilespmem:s26+$0xFFFFFDB0] =	vst v4;
	v4 =	vor.u32 s25, v0  }
0x83: {  	[tilespmem:s13], [sflag:$0x4] =	stream.strided.gather [hbm4b:s19+s8], $0x2000, s9, s8, $0x38;
	[tilespmem:$0x1E200] =	vst v63  }
0x84: {  	_ =	swait.ge [sflag:s23], $0x2000  }
0x85: {  	[sflag:s23] =	ssyncset.done $0x0  }
0x86: {  	[sflag:s23] =	ssyncadd.s32 $0xFFFFE000  }
0x87: {  	v4 =	vld.idx.msk [tilespmem:v4+s14+$0x0], $0xffff  }
0x88: {  	v5 =	vor.u32 s25, v1;
	_ =	sdelay $0x3  }
0x89: {  	[tilespmem:s26+$0xFFFFFE00] =	vst v4  }
0x8a: {  	v4 =	vld.idx.msk [tilespmem:v5+s14+$0x0], $0xffff  }
0x8b: {  	v5 =	vor.u32 s25, v2;
	_ =	sdelay $0x3  }
0x8c: {  	[tilespmem:s26+$0xFFFFFE10] =	vst v4  }
0x8d: {  	v4 =	vld.idx.msk [tilespmem:v5+s14+$0x0], $0xffff  }
0x8e: {  	v5 =	vor.u32 s25, v3;
	_ =	sdelay $0x3  }
0x8f: {  	[tilespmem:s26+$0xFFFFFE20] =	vst v4  }
0x90: {  	v4 =	vld.idx.msk [tilespmem:v5+s14+$0x0], $0xffff;
	_ =	sdelay $0x3  }
0x91: {  	s25 =	sand.u32 $0xFFFFF80, s2  }
0x92: {  	s7 =	sand.u32 $0x7F, s7;
	s19 =	sadd.s32 s1, s25;
	[tilespmem:s26+$0xFFFFFE30] =	vst v4  }
0x93: {  	v4 =	vor.u32 s7, v0;
	[tilespmem:s14], [sflag:$0x5] =	stream.strided.gather [hbm4b:s19+s8], $0x2000, s9, s8, $0x38;
	[tilespmem:$0x1E200] =	vst v63  }
0x94: {  	s19 =	simm.s32 $0x6  }
0x95: {  	_ =	swait.ge [sflag:s19], $0x2000  }
0x96: {  	[sflag:s19] =	ssyncset.done $0x0  }
0x97: {  	[sflag:s19] =	ssyncadd.s32 $0xFFFFE000  }
0x98: {  	v4 =	vld.idx.msk [tilespmem:v4+s15+$0x0], $0xffff  }
0x99: {  	v5 =	vor.u32 s7, v1;
	_ =	sdelay $0x3  }
0x9a: {  	[tilespmem:s26+$0xFFFFFE80] =	vst v4  }
0x9b: {  	v4 =	vld.idx.msk [tilespmem:v5+s15+$0x0], $0xffff  }
0x9c: {  	v5 =	vor.u32 s7, v2;
	_ =	sdelay $0x3  }
0x9d: {  	[tilespmem:s26+$0xFFFFFE90] =	vst v4  }
0x9e: {  	v4 =	vld.idx.msk [tilespmem:v5+s15+$0x0], $0xffff  }
0x9f: {  	v5 =	vor.u32 s7, v3;
	_ =	sdelay $0x3  }
0xa0: {  	[tilespmem:s26+$0xFFFFFEA0] =	vst v4  }
0xa1: {  	v4 =	vld.idx.msk [tilespmem:v5+s15+$0x0], $0xffff;
	_ =	sdelay $0x3  }
0xa2: {  	s6 =	sand.u32 $0x7F, s6;
	s25 =	sand.u32 $0xFFFFF80, s0  }
0xa3: {  	s20 =	simm.s32 $0x7;
	s7 =	sadd.s32 s1, s25;
	[tilespmem:s26+$0xFFFFFEB0] =	vst v4;
	v4 =	vor.u32 s6, v0  }
0xa4: {  	[tilespmem:s15], [sflag:$0x6] =	stream.strided.gather [hbm4b:s7+s8], $0x2000, s9, s8, $0x38;
	[tilespmem:$0x1E200] =	vst v63  }
0xa5: {  	_ =	swait.ge [sflag:s20], $0x2000  }
0xa6: {  	[sflag:s20] =	ssyncset.done $0x0  }
0xa7: {  	[sflag:s20] =	ssyncadd.s32 $0xFFFFE000  }
0xa8: {  	v4 =	vld.idx.msk [tilespmem:v4+s16+$0x0], $0xffff  }
0xa9: {  	v5 =	vor.u32 s6, v1;
	_ =	sdelay $0x3  }
0xaa: {  	[tilespmem:s26+$0xFFFFFF00] =	vst v4  }
0xab: {  	v4 =	vld.idx.msk [tilespmem:v5+s16+$0x0], $0xffff  }
0xac: {  	v5 =	vor.u32 s6, v2;
	_ =	sdelay $0x3  }
0xad: {  	[tilespmem:s26+$0xFFFFFF10] =	vst v4  }
0xae: {  	v4 =	vld.idx.msk [tilespmem:v5+s16+$0x0], $0xffff  }
0xaf: {  	v5 =	vor.u32 s6, v3;
	_ =	sdelay $0x3  }
0xb0: {  	[tilespmem:s26+$0xFFFFFF20] =	vst v4  }
0xb1: {  	v4 =	vld.idx.msk [tilespmem:v5+s16+$0x0], $0xffff;
	_ =	sdelay $0x3  }
0xb2: {  	s5 =	sand.u32 $0x7F, s5;
	s25 =	sand.u32 $0xFFFFF80, s31  }
0xb3: {  	s6 =	sadd.s32 s1, s25;
	[tilespmem:s26+$0xFFFFFF30] =	vst v4;
	v4 =	vor.u32 s5, v0  }
0xb4: {  	[tilespmem:s16], [sflag:$0x7] =	stream.strided.gather [hbm4b:s6+s8], $0x2000, s9, s8, $0x38;
	[tilespmem:$0x1E200] =	vst v63  }
0xb5: {  	_ =	swait.ge [sflag:s17], $0x2000  }
0xb6: {  	[sflag:s17] =	ssyncset.done $0x0  }
0xb7: {  	[sflag:s17] =	ssyncadd.s32 $0xFFFFE000  }
0xb8: {  	v4 =	vld.idx.msk [tilespmem:v4+s10+$0x0], $0xffff  }
0xb9: {  	v5 =	vor.u32 s5, v1;
	_ =	sdelay $0x3  }
0xba: {  	[tilespmem:s26+$0xFFFFFF80] =	vst v4  }
0xbb: {  	v4 =	vld.idx.msk [tilespmem:v5+s10+$0x0], $0xffff  }
0xbc: {  	v5 =	vor.u32 s5, v2;
	_ =	sdelay $0x3  }
0xbd: {  	[tilespmem:s26+$0xFFFFFF90] =	vst v4  }
0xbe: {  	v4 =	vld.idx.msk [tilespmem:v5+s10+$0x0], $0xffff  }
0xbf: {  	v5 =	vor.u32 s5, v3;
	_ =	sdelay $0x3  }
0xc0: {  	[tilespmem:s26+$0xFFFFFFA0] =	vst v4  }
0xc1: {  	v4 =	vld.idx.msk [tilespmem:v5+s10+$0x0], $0xffff;
	_ =	sdelay $0x3  }
0xc2: {  	s4 =	sand.u32 $0x7F, s4;
	s6 =	sand.u32 $0xFFFFF80, s30  }
0xc3: {  	s5 =	sadd.s32 s1, s6;
	[tilespmem:s26+$0xFFFFFFB0] =	vst v4;
	v4 =	vor.u32 s4, v0  }
0xc4: {  	[tilespmem:s10], [sflag:$0x1] =	stream.strided.gather [hbm4b:s5+s8], $0x2000, s9, s8, $0x38;
	[tilespmem:$0x1E200] =	vst v63  }
0xc5: {  	_ =	swait.ge [sflag:s18], $0x2000  }
0xc6: {  	[sflag:s18] =	ssyncset.done $0x0  }
0xc7: {  	[sflag:s18] =	ssyncadd.s32 $0xFFFFE000  }
0xc8: {  	v4 =	vld.idx.msk [tilespmem:v4+s11+$0x0], $0xffff  }
0xc9: {  	v5 =	vor.u32 s4, v1;
	_ =	sdelay $0x3  }
0xca: {  	[tilespmem:s26+$0x0] =	vst v4  }
0xcb: {  	v4 =	vld.idx.msk [tilespmem:v5+s11+$0x0], $0xffff  }
0xcc: {  	v5 =	vor.u32 s4, v2;
	_ =	sdelay $0x3  }
0xcd: {  	[tilespmem:s26+$0x10] =	vst v4  }
0xce: {  	v4 =	vld.idx.msk [tilespmem:v5+s11+$0x0], $0xffff  }
0xcf: {  	v5 =	vor.u32 s4, v3;
	_ =	sdelay $0x3  }
0xd0: {  	[tilespmem:s26+$0x20] =	vst v4  }
0xd1: {  	v4 =	vld.idx.msk [tilespmem:v5+s11+$0x0], $0xffff;
	_ =	sdelay $0x3  }
0xd2: {  	s3 =	sand.u32 $0x7F, s3;
	s7 =	sand.u32 $0xFFFFF80, s29  }
0xd3: {  	s4 =	sadd.s32 s1, s7;
	[tilespmem:s26+$0x30] =	vst v4;
	v4 =	vor.u32 s3, v0  }
0xd4: {  	[tilespmem:s11], [sflag:$0x2] =	stream.strided.gather [hbm4b:s4+s8], $0x2000, s9, s8, $0x38;
	[tilespmem:$0x1E200] =	vst v63  }
0xd5: {  	_ =	swait.ge [sflag:s21], $0x2000  }
0xd6: {  	[sflag:s21] =	ssyncset.done $0x0  }
0xd7: {  	[sflag:s21] =	ssyncadd.s32 $0xFFFFE000  }
0xd8: {  	v4 =	vld.idx.msk [tilespmem:v4+s12+$0x0], $0xffff  }
0xd9: {  	v5 =	vor.u32 s3, v1;
	_ =	sdelay $0x3  }
0xda: {  	[tilespmem:s26+$0x80] =	vst v4  }
0xdb: {  	v4 =	vld.idx.msk [tilespmem:v5+s12+$0x0], $0xffff  }
0xdc: {  	v5 =	vor.u32 s3, v2;
	_ =	sdelay $0x3  }
0xdd: {  	[tilespmem:s26+$0x90] =	vst v4  }
0xde: {  	v4 =	vld.idx.msk [tilespmem:v5+s12+$0x0], $0xffff  }
0xdf: {  	v5 =	vor.u32 s3, v3;
	_ =	sdelay $0x3  }
0xe0: {  	[tilespmem:s26+$0xA0] =	vst v4  }
0xe1: {  	v4 =	vld.idx.msk [tilespmem:v5+s12+$0x0], $0xffff;
	_ =	sdelay $0x2  }
0xe2: {  	s24 =	sand.u32 $0x7F, s24  }
0xe3: {  	v5 =	vor.u32 s24, v0  }
0xe4: {  	[tilespmem:s26+$0xB0] =	vst v4  }
0xe5: {  	_ =	swait.ge [sflag:s22], $0x2000  }
0xe6: {  	[sflag:s22] =	ssyncset.done $0x0  }
0xe7: {  	[sflag:s22] =	ssyncadd.s32 $0xFFFFE000  }
0xe8: {  	v4 =	vld.idx.msk [tilespmem:v5+s13+$0x0], $0xffff  }
0xe9: {  	v5 =	vor.u32 s24, v1;
	_ =	sdelay $0x3  }
0xea: {  	[tilespmem:s26+$0x100] =	vst v4  }
0xeb: {  	v4 =	vld.idx.msk [tilespmem:v5+s13+$0x0], $0xffff  }
0xec: {  	v5 =	vor.u32 s24, v2;
	_ =	sdelay $0x3  }
0xed: {  	[tilespmem:s26+$0x110] =	vst v4  }
0xee: {  	v4 =	vld.idx.msk [tilespmem:v5+s13+$0x0], $0xffff  }
0xef: {  	v5 =	vor.u32 s24, v3;
	_ =	sdelay $0x3  }
0xf0: {  	[tilespmem:s26+$0x120] =	vst v4  }
0xf1: {  	v4 =	vld.idx.msk [tilespmem:v5+s13+$0x0], $0xffff;
	_ =	sdelay $0x2  }
0xf2: {  	s2 =	sand.u32 $0x7F, s2  }
0xf3: {  	v5 =	vor.u32 s2, v0  }
0xf4: {  	[tilespmem:s26+$0x130] =	vst v4  }
0xf5: {  	_ =	swait.ge [sflag:s23], $0x2000  }
0xf6: {  	[sflag:s23] =	ssyncset.done $0x0  }
0xf7: {  	[sflag:s23] =	ssyncadd.s32 $0xFFFFE000  }
0xf8: {  	v4 =	vld.idx.msk [tilespmem:v5+s14+$0x0], $0xffff  }
0xf9: {  	v5 =	vor.u32 s2, v1;
	_ =	sdelay $0x3  }
0xfa: {  	[tilespmem:s26+$0x180] =	vst v4  }
0xfb: {  	v4 =	vld.idx.msk [tilespmem:v5+s14+$0x0], $0xffff  }
0xfc: {  	v5 =	vor.u32 s2, v2;
	_ =	sdelay $0x3  }
0xfd: {  	[tilespmem:s26+$0x190] =	vst v4  }
0xfe: {  	v4 =	vld.idx.msk [tilespmem:v5+s14+$0x0], $0xffff  }
0xff: {  	v5 =	vor.u32 s2, v3;
	_ =	sdelay $0x3  }
0x100: {  	[tilespmem:s26+$0x1A0] =	vst v4  }
0x101: {  	v4 =	vld.idx.msk [tilespmem:v5+s14+$0x0], $0xffff;
	_ =	sdelay $0x2  }
0x102: {  	s0 =	sand.u32 $0x7F, s0  }
0x103: {  	v5 =	vor.u32 s0, v0  }
0x104: {  	[tilespmem:s26+$0x1B0] =	vst v4  }
0x105: {  	_ =	swait.ge [sflag:s19], $0x2000  }
0x106: {  	[sflag:s19] =	ssyncset.done $0x0  }
0x107: {  	[sflag:s19] =	ssyncadd.s32 $0xFFFFE000  }
0x108: {  	v4 =	vld.idx.msk [tilespmem:v5+s15+$0x0], $0xffff  }
0x109: {  	v5 =	vor.u32 s0, v1;
	_ =	sdelay $0x3  }
0x10a: {  	[tilespmem:s26+$0x200] =	vst v4  }
0x10b: {  	v4 =	vld.idx.msk [tilespmem:v5+s15+$0x0], $0xffff  }
0x10c: {  	v5 =	vor.u32 s0, v2;
	_ =	sdelay $0x3  }
0x10d: {  	[tilespmem:s26+$0x210] =	vst v4  }
0x10e: {  	v4 =	vld.idx.msk [tilespmem:v5+s15+$0x0], $0xffff  }
0x10f: {  	v5 =	vor.u32 s0, v3;
	_ =	sdelay $0x3  }
0x110: {  	[tilespmem:s26+$0x220] =	vst v4  }
0x111: {  	v4 =	vld.idx.msk [tilespmem:v5+s15+$0x0], $0xffff;
	_ =	sdelay $0x2  }
0x112: {  	s25 =	sand.u32 $0x7F, s31  }
0x113: {  	v5 =	vor.u32 s25, v0  }
0x114: {  	[tilespmem:s26+$0x230] =	vst v4  }
0x115: {  	_ =	swait.ge [sflag:s20], $0x2000  }
0x116: {  	[sflag:s20] =	ssyncset.done $0x0  }
0x117: {  	[sflag:s20] =	ssyncadd.s32 $0xFFFFE000  }
0x118: {  	v4 =	vld.idx.msk [tilespmem:v5+s16+$0x0], $0xffff  }
0x119: {  	v5 =	vor.u32 s25, v1;
	_ =	sdelay $0x3  }
0x11a: {  	[tilespmem:s26+$0x280] =	vst v4  }
0x11b: {  	v4 =	vld.idx.msk [tilespmem:v5+s16+$0x0], $0xffff  }
0x11c: {  	v5 =	vor.u32 s25, v2;
	_ =	sdelay $0x3  }
0x11d: {  	[tilespmem:s26+$0x290] =	vst v4  }
0x11e: {  	v4 =	vld.idx.msk [tilespmem:v5+s16+$0x0], $0xffff  }
0x11f: {  	v5 =	vor.u32 s25, v3;
	_ =	sdelay $0x3  }
0x120: {  	[tilespmem:s26+$0x2A0] =	vst v4  }
0x121: {  	v4 =	vld.idx.msk [tilespmem:v5+s16+$0x0], $0xffff;
	_ =	sdelay $0x2  }
0x122: {  	s30 =	sand.u32 $0x7F, s30  }
0x123: {  	v5 =	vor.u32 s30, v0  }
0x124: {  	[tilespmem:s26+$0x2B0] =	vst v4  }
0x125: {  	_ =	swait.ge [sflag:s17], $0x2000  }
0x126: {  	[sflag:s17] =	ssyncset.done $0x0  }
0x127: {  	[sflag:s17] =	ssyncadd.s32 $0xFFFFE000  }
0x128: {  	v4 =	vld.idx.msk [tilespmem:v5+s10+$0x0], $0xffff  }
0x129: {  	v5 =	vor.u32 s30, v1;
	_ =	sdelay $0x3  }
0x12a: {  	[tilespmem:s26+$0x300] =	vst v4  }
0x12b: {  	v4 =	vld.idx.msk [tilespmem:v5+s10+$0x0], $0xffff  }
0x12c: {  	v5 =	vor.u32 s30, v2;
	_ =	sdelay $0x3  }
0x12d: {  	[tilespmem:s26+$0x310] =	vst v4  }
0x12e: {  	v4 =	vld.idx.msk [tilespmem:v5+s10+$0x0], $0xffff  }
0x12f: {  	v5 =	vor.u32 s30, v3;
	_ =	sdelay $0x3  }
0x130: {  	[tilespmem:s26+$0x320] =	vst v4  }
0x131: {  	v4 =	vld.idx.msk [tilespmem:v5+s10+$0x0], $0xffff;
	_ =	sdelay $0x2  }
0x132: {  	s31 =	sand.u32 $0x7F, s29  }
0x133: {  	v5 =	vor.u32 s31, v0  }
0x134: {  	[tilespmem:s26+$0x330] =	vst v4  }
0x135: {  	_ =	swait.ge [sflag:s18], $0x2000  }
0x136: {  	[sflag:s18] =	ssyncset.done $0x0  }
0x137: {  	[sflag:s18] =	ssyncadd.s32 $0xFFFFE000  }
0x138: {  	v4 =	vld.idx.msk [tilespmem:v5+s11+$0x0], $0xffff  }
0x139: {  	v5 =	vor.u32 s31, v1;
	_ =	sdelay $0x3  }
0x13a: {  	[tilespmem:s26+$0x380] =	vst v4  }
0x13b: {  	v4 =	vld.idx.msk [tilespmem:v5+s11+$0x0], $0xffff  }
0x13c: {  	v5 =	vor.u32 s31, v2;
	_ =	sdelay $0x3  }
0x13d: {  	[tilespmem:s26+$0x390] =	vst v4  }
0x13e: {  	v4 =	vld.idx.msk [tilespmem:v5+s11+$0x0], $0xffff  }
0x13f: {  	v5 =	vor.u32 s31, v3;
	_ =	sdelay $0x3  }
0x140: {  	[tilespmem:s26+$0x3A0] =	vst v4  }
0x141: {  	p0 =	sne.s32 s28, $0x7C0;
	v4 =	vld.idx.msk [tilespmem:v5+s11+$0x0], $0xffff  }
.Ltmp0:
0x142: {  	_ = 	snop;
	(pc) =	sbr.rel @p0 .LBB2_2-.Ltmp0, $2  }
0x143: {  	_ =	sdelay $0x2  }
0x144: {  	s28 =	sadd.s32 $0x40, s28;
	[tilespmem:s26+$0x3B0] =	vst v4;
	s26 =	sadd.s32 $0x800, s26  }
0x145: {  	s7 =	simm.s32 $0x0;
	s0 =	rddreg [dreg:$0x5];
	s2 =	simm.s32 $0x200  }
0x146: {  	[hbm4b:s0+s7] =	stream.linear.scatter [tilespmem:s2], [sflag:$0x8], $0x10000, $0x38;
	[tilespmem:$0x1E200] =	vst v63  }
0x147: {  	s2 =	simm.s32 $0x8  }
0x148: {  	_ =	swait.ge [sflag:s2], $0x10000  }
0x149: {  	s3 =	rddreg [dreg:$0x7]  }
0x14a: {  	s31 =	rddreg [dreg:$0x6];
	s3 =	sadd.s32 $0x1, s3  }
0x14b: {  	p0 =	sne.s32 s3, s31  }
.Ltmp1:
0x14c: {  	_ = 	snop;
	(pc) =	sbr.rel @p0 .LBB2_1-.Ltmp1, $3  }
0x14d: {  	_ =	sdelay $0x1  }
0x14e: {  	[sflag:s2] =	ssyncset.done $0x0  }
0x14f: {  	[sflag:s2] =	ssyncadd.s32 $0xFFFF0000  }
0x150: {  	_ =	sfence.sel $0x180000  }
0x151: {  	[bflag:$0x0] =	sbarrier.arrive $0xFFFF  }
0x152: {  	_ =	strace $0x90000047  }
0x153: {  	s0 =	stileid.u32;
	[bflag:$0x2] =	sbarrier.arrive $0xFFFF  }
0x154: {  	p0 =	sne.s32 s0, $0x0;
	s0 =	rddreg [dreg:$0x3]  }
0x155: {  	s0 =	sadd.s32 @!p0 $0x100000, s0  }
0x156: {  	[sflag:s0] =	ssyncadd.tile.s32 @!p0 $0x1;
	_ =	shalt  }
.Lfunc_end2:
_tile_overlayer_lowered:
.L_overlay_start_2:
0x157: {  	(tag) =	ssettag $0x2  }
0x158: {  	s0 =	rddreg [dreg:$0x0];
	s2 =	stileid.u32  }
0x159: {  	s1 =	rddreg [dreg:$0x1];
	p0 =	sne.s32 s2, $0x0  }
0x15a: {  	s3 =	rddreg [dreg:$0x2];
	[bflag:$0x3] =	sbarrier.arrive $0xFFFF;
	s2 =	simm.s32 @!p0 $0x1C08  }
0x15b: {  	[timem:s3], [sflag:s2] =	dma.local @!p0 [hbm:s0], s1  }
0x15c: {  	s0 =	simm.s32 @!p0 $0x8  }
0x15d: {  	_ =	swait.ge @!p0 [sflag:s0], s1  }
0x15e: {  	s1 =	ssub.s32 @!p0 $0x0, s1;
	[sflag:s0] =	ssyncset.done @!p0 $0x0  }
0x15f: {  	[sflag:s0] =	ssyncadd.s32 @!p0 s1  }
0x160: {  	[bflag:$0x3] =	sbarrier.arrive $0xFFFF  }
0x161: {  	_ =	shalt  }

</sc_bundles>
